<compile_context>
chip_gen: v7x
topology: tpu7x:2x2x1
jax: 0.10.2.dev20260603
libtpu: 0.0.44.dev20260713+nightly
codegen_flags: <defaults>
</compile_context>

<pallas_src>
import functools

import jax
import jax.numpy as jnp
from jax import lax
from jax.experimental import pallas as pl
from jax.experimental.pallas import tpu as pltpu
from jax.experimental.pallas import tpu_sc as plsc

_NC = 2
_NS = 16
_NW = _NC * _NS
_B = 128
_L = 16


def _zero_vmem(buf, rows, cols):
    zero16 = jnp.zeros((_L,), jnp.float32)

    def fill(r, _):
        for k in range(cols // _L):
            buf[r, pl.ds(k * _L, _L)] = zero16
        return 0

    lax.fori_loop(0, rows, fill, 0, unroll=False)


def _deg_body(nchunk, rpt, dst_hbm, out_hbm, idx_v, ones_v, zbuf_v, acc_sh, sem):
    c = lax.axis_index("c")
    s = lax.axis_index("s")
    wid = c * _NS + s

    one16 = jnp.ones((_L,), jnp.float32)

    def fill_ones(r, _):
        ones_v[r, :] = one16
        return 0

    lax.fori_loop(0, _B, fill_ones, 0, unroll=False)
    _zero_vmem(zbuf_v, rpt, _L)
    pltpu.sync_copy(zbuf_v, acc_sh.at[pl.ds(s * rpt, rpt)])
    plsc.subcore_barrier()

    pltpu.sync_copy(dst_hbm.at[wid], idx_v)

    def chunk(j, _):
        pltpu.sync_copy(ones_v, acc_sh.at[idx_v.at[j]], add=True)
        return 0

    lax.fori_loop(0, nchunk, chunk, 0, unroll=False)
    plsc.subcore_barrier()

    pltpu.sync_copy(acc_sh.at[pl.ds(s * rpt, rpt)], zbuf_v)
    pltpu.sync_copy(zbuf_v, out_hbm.at[c, pl.ds(s * rpt, rpt)])


def _agg_body(nchunk, rpt, hw, msg_hbm, src_hbm, dst_hbm, out_hbm,
              isrc_v, idst_v, rows_v, zbuf_v, acc_sh, sem):
    c = lax.axis_index("c")
    s = lax.axis_index("s")

    _zero_vmem(zbuf_v, rpt, hw)
    pltpu.sync_copy(zbuf_v, acc_sh.at[pl.ds(s * rpt, rpt)])
    plsc.subcore_barrier()

    pltpu.sync_copy(src_hbm.at[s], isrc_v)
    pltpu.sync_copy(dst_hbm.at[s], idst_v)

    def chunk(j, _):
        pltpu.async_copy(msg_hbm.at[c].at[isrc_v.at[j]], rows_v, sem).wait()
        pltpu.sync_copy(rows_v, acc_sh.at[idst_v.at[j]], add=True)
        return 0

    lax.fori_loop(0, nchunk, chunk, 0, unroll=False)
    plsc.subcore_barrier()

    pltpu.sync_copy(acc_sh.at[pl.ds(s * rpt, rpt)], zbuf_v)
    pltpu.sync_copy(zbuf_v, out_hbm.at[c, pl.ds(s * rpt, rpt)])


def _sc_mesh():
    return plsc.VectorSubcoreMesh(
        core_axis_name="c", subcore_axis_name="s", num_cores=_NC,
        num_subcores=_NS)


def _make_deg_kernel(nchunk, acc_rows):
    rpt = acc_rows // _NS
    return pl.kernel(
        functools.partial(_deg_body, nchunk, rpt),
        out_type=jax.ShapeDtypeStruct((_NC, acc_rows, _L), jnp.float32),
        mesh=_sc_mesh(),
        compiler_params=pltpu.CompilerParams(use_tc_tiling_on_sc=False),
        scratch_types=[
            pltpu.VMEM((nchunk, _B), jnp.int32),
            pltpu.VMEM((_B, _L), jnp.float32),
            pltpu.VMEM((rpt, _L), jnp.float32),
            pltpu.VMEM_SHARED((acc_rows, _L), jnp.float32),
            pltpu.SemaphoreType.DMA,
        ],
    )


def _make_agg_kernel(nchunk, acc_rows, hw):
    rpt = acc_rows // _NS
    return pl.kernel(
        functools.partial(_agg_body, nchunk, rpt, hw),
        out_type=jax.ShapeDtypeStruct((_NC, acc_rows, hw), jnp.float32),
        mesh=_sc_mesh(),
        compiler_params=pltpu.CompilerParams(use_tc_tiling_on_sc=False),
        scratch_types=[
            pltpu.VMEM((nchunk, _B), jnp.int32),
            pltpu.VMEM((nchunk, _B), jnp.int32),
            pltpu.VMEM((_B, hw), jnp.float32),
            pltpu.VMEM((rpt, hw), jnp.float32),
            pltpu.VMEM_SHARED((acc_rows, hw), jnp.float32),
            pltpu.SemaphoreType.DMA,
        ],
    )


def _tc1_body(hw, degp_ref, x_ref, w1_ref, m1_ref):
    degp = degp_ref[...]
    dis = lax.rsqrt(1.0 + degp[0, :, 0] + degp[1, :, 0])
    h = jnp.dot(x_ref[...], w1_ref[...], preferred_element_type=jnp.float32)
    m = h * dis[:, None]
    for i in range(2):
        m1_ref[i] = m[:, i * hw:(i + 1) * hw]


def _tc2_body(hw, degp_ref, aggp_ref, m1_ref, w2_ref, b1_ref, m2_ref):
    degp = degp_ref[...]
    dis = lax.rsqrt(1.0 + degp[0, :, 0] + degp[1, :, 0])
    aggp = aggp_ref[...]
    m1 = m1_ref[...]
    tot = aggp + m1
    pre = jnp.concatenate([tot[i] for i in range(2)], axis=1) * dis[:, None] + b1_ref[...]
    z = jnp.maximum(pre, 0.0)
    h = jnp.dot(z, w2_ref[...], preferred_element_type=jnp.float32)
    m = h * dis[:, None]
    for i in range(2):
        m2_ref[i] = m[:, i * hw:(i + 1) * hw]


def _tc3_body(n, ngrid, degp_ref, aggp_ref, m2_ref, b2_ref, wc_ref, bc_ref,
              out_ref, acc_ref):
    i = pl.program_id(0)
    degp = degp_ref[...]
    dis = lax.rsqrt(1.0 + degp[0, :, 0] + degp[1, :, 0])
    aggp = aggp_ref[...]
    tot = aggp + m2_ref[...]
    pre = jnp.concatenate([tot[k] for k in range(2)], axis=1) * dis[:, None] + b2_ref[...]
    z = jnp.maximum(pre, 0.0)
    part = jnp.sum(z, axis=0, keepdims=True)

    @pl.when(i == 0)
    def _():
        acc_ref[...] = jnp.zeros_like(acc_ref)

    acc_ref[0:1, :] += part

    @pl.when(i == ngrid - 1)
    def _():
        mean = acc_ref[0:1, :] * (1.0 / n)
        r = jnp.dot(mean, wc_ref[...], preferred_element_type=jnp.float32)
        r = r + bc_ref[...]
        out_ref[...] = jnp.broadcast_to(r, (8, 128))


def kernel(x, edge_index, W1, b1, W2, b2, Wc, bc):
    n, d = x.shape
    h = W1.shape[1]
    hw = h // 2
    c_out = Wc.shape[1]
    e = edge_index.shape[1]

    acc_rows = -(-(n + 1) // 128) * 128
    rpt = acc_rows // _NS

    src = edge_index[0]
    dst = edge_index[1]

    ept32 = -(-e // _NW)
    nch32 = -(-ept32 // _B)
    pad32 = _NW * nch32 * _B - e
    dst_p32 = jnp.concatenate([dst, jnp.full((pad32,), n, jnp.int32)])
    dst_p32 = dst_p32.reshape(_NW, nch32, _B)

    ept16 = -(-e // _NS)
    nch16 = -(-ept16 // _B)
    pad16 = _NS * nch16 * _B - e
    src_p16 = jnp.concatenate([src, jnp.zeros((pad16,), jnp.int32)])
    dst_p16 = jnp.concatenate([dst, jnp.full((pad16,), n, jnp.int32)])
    src_p16 = src_p16.reshape(_NS, nch16, _B)
    dst_p16 = dst_p16.reshape(_NS, nch16, _B)

    degp = _make_deg_kernel(nch32, acc_rows)(dst_p32)

    ngrid = 10
    r = n // ngrid
    m1 = pl.pallas_call(
        functools.partial(_tc1_body, hw),
        grid=(ngrid,),
        in_specs=[
            pl.BlockSpec((_NC, r, _L), lambda i: (0, i, 0)),
            pl.BlockSpec((r, d), lambda i: (i, 0)),
            pl.BlockSpec((d, h), lambda i: (0, 0)),
        ],
        out_specs=pl.BlockSpec((_NC, r, hw), lambda i: (0, i, 0)),
        out_shape=jax.ShapeDtypeStruct((_NC, n, hw), jnp.float32),
    )(degp, x, W1)

    agg_fn = _make_agg_kernel(nch16, acc_rows, hw)

    agg1 = agg_fn(m1, src_p16, dst_p16)

    m2 = pl.pallas_call(
        functools.partial(_tc2_body, hw),
        grid=(ngrid,),
        in_specs=[
            pl.BlockSpec((_NC, r, _L), lambda i: (0, i, 0)),
            pl.BlockSpec((_NC, r, hw), lambda i: (0, i, 0)),
            pl.BlockSpec((_NC, r, hw), lambda i: (0, i, 0)),
            pl.BlockSpec((h, h), lambda i: (0, 0)),
            pl.BlockSpec((1, h), lambda i: (0, 0)),
        ],
        out_specs=pl.BlockSpec((_NC, r, hw), lambda i: (0, i, 0)),
        out_shape=jax.ShapeDtypeStruct((_NC, n, hw), jnp.float32),
    )(degp, agg1, m1, W2, b1.reshape(1, h))

    agg2 = agg_fn(m2, src_p16, dst_p16)

    wc_p = jnp.zeros((h, 128), jnp.float32).at[:, :c_out].set(Wc)
    bc_p = jnp.zeros((1, 128), jnp.float32).at[0, :c_out].set(bc)
    out8 = pl.pallas_call(
        functools.partial(_tc3_body, n, ngrid),
        grid=(ngrid,),
        in_specs=[
            pl.BlockSpec((_NC, r, _L), lambda i: (0, i, 0)),
            pl.BlockSpec((_NC, r, hw), lambda i: (0, i, 0)),
            pl.BlockSpec((_NC, r, hw), lambda i: (0, i, 0)),
            pl.BlockSpec((1, h), lambda i: (0, 0)),
            pl.BlockSpec((h, 128), lambda i: (0, 0)),
            pl.BlockSpec((1, 128), lambda i: (0, 0)),
        ],
        out_specs=pl.BlockSpec((8, 128), lambda i: (0, 0)),
        out_shape=jax.ShapeDtypeStruct((8, 128), jnp.float32),
        scratch_shapes=[pltpu.VMEM((8, 128), jnp.float32)],
    )(degp, agg2, m2, b2.reshape(1, h), wc_p, bc_p)

    return out8[0:1, :c_out]

# --- scband reference (transcript-rebuilt; emitter-appended) ---
"""Pipeline reference for scband-pygnet-28922309771522 (READ-ONLY COPY).

The authoritative reference and input builder live on the scoring server;
editing this copy changes nothing except your own understanding.
"""

import jax, jax.numpy as jnp
import numpy as np

N = 10000
E = 320000
D = 128
H = 128
C = 16


def setup_inputs(seed: int = 0) -> dict:
    key = jax.random.key(seed)
    ks = jax.random.split(key, 10)
    x = jax.random.normal(ks[0], (N, D), dtype=jnp.float32)
    edge_index = jax.random.randint(ks[1], (2, E), 0, N, dtype=jnp.int32)
    W1 = jax.random.normal(ks[2], (D, H), dtype=jnp.float32) * (1.0 / np.sqrt(D))
    b1 = jnp.zeros((H,), dtype=jnp.float32)
    W2 = jax.random.normal(ks[3], (H, H), dtype=jnp.float32) * (1.0 / np.sqrt(H))
    b2 = jnp.zeros((H,), dtype=jnp.float32)
    Wc = jax.random.normal(ks[4], (H, C), dtype=jnp.float32) * (1.0 / np.sqrt(H))
    bc = jnp.zeros((C,), dtype=jnp.float32)
    return {"x": x, "edge_index": edge_index, "W1": W1, "b1": b1, "W2": W2, "b2": b2, "Wc": Wc, "bc": bc}


def _gcn_conv(h, src, dst, W, b, n_nodes):
    # GCNConv: x' = D^{-1/2} (A + I) D^{-1/2} X W + b  (self-loops added, symmetric norm)
    h = h @ W
    deg = jnp.zeros((n_nodes,), dtype=h.dtype).at[dst].add(1.0)
    deg_inv_sqrt = jnp.where(deg > 0, deg ** -0.5, 0.0)
    norm = deg_inv_sqrt[src] * deg_inv_sqrt[dst]
    msgs = h[src] * norm[:, None]
    out = jnp.zeros((n_nodes, h.shape[1]), dtype=h.dtype).at[dst].add(msgs)
    return out + b


def reference(x, edge_index, W1, b1, W2, b2, Wc, bc):
    n_nodes = x.shape[0]
    loops = jnp.arange(n_nodes, dtype=edge_index.dtype)
    src = jnp.concatenate([edge_index[0], loops])
    dst = jnp.concatenate([edge_index[1], loops])
    h = jax.nn.relu(_gcn_conv(x, src, dst, W1, b1, n_nodes))
    h = jax.nn.relu(_gcn_conv(h, src, dst, W2, b2, n_nodes))
    h = jnp.mean(h, axis=0, keepdims=True)
    return h @ Wc + bc

if __name__ == "__main__":
    import jax
    _d = setup_inputs()
    print(jax.jit(kernel)(*tuple(_d.values())))

</pallas_src>

<mosaic_0001>
#map = affine_map<(d0, d1) -> (0, 0, 0)>
module attributes {stable_mosaic.version = 14 : i64} {
  func.func @_agg_body(%arg0: i32, %arg1: i32, %arg2: memref<2x10000x64xf32, #tpu.memory_space<hbm>>, %arg3: memref<16x157x128xi32, #tpu.memory_space<hbm>>, %arg4: memref<16x157x128xi32, #tpu.memory_space<hbm>>, %arg5: memref<2x10112x64xf32, #tpu.memory_space<hbm>>, %arg6: memref<157x128xi32, #tpu.memory_space<vmem>>, %arg7: memref<157x128xi32, #tpu.memory_space<vmem>>, %arg8: memref<128x64xf32, #tpu.memory_space<vmem>>, %arg9: memref<632x64xf32, #tpu.memory_space<vmem>>, %arg10: memref<10112x64xf32, #tpu.memory_space<vmem_shared>>, %arg11: memref<!tpu.dma_semaphore, #tpu.memory_space<semaphore_mem>>) attributes {dimension_semantics = [#tpu.dimension_semantics<core_parallel>, #tpu.dimension_semantics<subcore_parallel>], iteration_bounds = array<i64: 2, 16>, scalar_prefetch = 0 : i64, scratch_operands = 6 : i64, tpu.core_type = #tpu.core_type<sc_vector_subcore>, window_params = [{transform_indices = #map}, {transform_indices = #map}, {transform_indices = #map}, {transform_indices = #map}]} {
    %broadcast_in_dim3A = arith.constant 0.000000e+00 : f32
    %broadcast_in_dim3A_0 = vector.broadcast %broadcast_in_dim3A : f32 to vector<16xf32>
    %scan3A = arith.constant 0 : i32
    %scan3A_1 = arith.constant 0 : i32
    %scan3A_2 = arith.constant 632 : i32
    %scan3A_3 = arith.addi %scan3A_1, %scan3A_2 : i32
    %scan3A_4 = arith.constant 1 : i32
    %scan3A_5 = scf.for %scan3A_20 = %scan3A_1 to %scan3A_3 step %scan3A_4 iter_args(%scan3A_21 = %scan3A) -> (i32)  : i32 {
      %swap3A = arith.index_cast %scan3A_20 : i32 to index
      %swap3A_22 = arith.constant 0 : index
      %swap3A_23 = tpu.vector_load %arg9[%swap3A, %swap3A_22] {strides = array<i32>} : memref<632x64xf32, #tpu.memory_space<vmem>>, vector<1x16xf32>,
      %swap3A_24 = vector.shape_cast %swap3A_23 : vector<1x16xf32> to vector<16xf32>
      %swap3A_25 = vector.shape_cast %broadcast_in_dim3A_0 : vector<16xf32> to vector<1x16xf32>
      tpu.vector_store %arg9[%swap3A, %swap3A_22], %swap3A_25 {strides = array<i32>} : memref<632x64xf32, #tpu.memory_space<vmem>>, vector<1x16xf32>,
      %swap3A_26 = arith.index_cast %scan3A_20 : i32 to index
      %swap3A_27 = arith.constant 16 : index
      %swap3A_28 = tpu.vector_load %arg9[%swap3A_26, %swap3A_27] {strides = array<i32>} : memref<632x64xf32, #tpu.memory_space<vmem>>, vector<1x16xf32>,
      %swap3A_29 = vector.shape_cast %swap3A_28 : vector<1x16xf32> to vector<16xf32>
      %swap3A_30 = vector.shape_cast %broadcast_in_dim3A_0 : vector<16xf32> to vector<1x16xf32>
      tpu.vector_store %arg9[%swap3A_26, %swap3A_27], %swap3A_30 {strides = array<i32>} : memref<632x64xf32, #tpu.memory_space<vmem>>, vector<1x16xf32>,
      %swap3A_31 = arith.index_cast %scan3A_20 : i32 to index
      %swap3A_32 = arith.constant 32 : index
      %swap3A_33 = tpu.vector_load %arg9[%swap3A_31, %swap3A_32] {strides = array<i32>} : memref<632x64xf32, #tpu.memory_space<vmem>>, vector<1x16xf32>,
      %swap3A_34 = vector.shape_cast %swap3A_33 : vector<1x16xf32> to vector<16xf32>
      %swap3A_35 = vector.shape_cast %broadcast_in_dim3A_0 : vector<16xf32> to vector<1x16xf32>
      tpu.vector_store %arg9[%swap3A_31, %swap3A_32], %swap3A_35 {strides = array<i32>} : memref<632x64xf32, #tpu.memory_space<vmem>>, vector<1x16xf32>,
      %swap3A_36 = arith.index_cast %scan3A_20 : i32 to index
      %swap3A_37 = arith.constant 48 : index
      %swap3A_38 = tpu.vector_load %arg9[%swap3A_36, %swap3A_37] {strides = array<i32>} : memref<632x64xf32, #tpu.memory_space<vmem>>, vector<1x16xf32>,
      %swap3A_39 = vector.shape_cast %swap3A_38 : vector<1x16xf32> to vector<16xf32>
      %swap3A_40 = vector.shape_cast %broadcast_in_dim3A_0 : vector<16xf32> to vector<1x16xf32>
      tpu.vector_store %arg9[%swap3A_36, %swap3A_37], %swap3A_40 {strides = array<i32>} : memref<632x64xf32, #tpu.memory_space<vmem>>, vector<1x16xf32>,
      %scan3A_41 = arith.constant 0 : i32
      scf.yield %scan3A_41 : i32
    }
    %scan3A_6 = arith.constant 632 : i32
    %mul3A = arith.constant 632 : i32
    %mul3A_7 = arith.muli %arg1, %mul3A : i32
    "tpu.region"() ({
      %run_scoped3A = tpu.sem_alloc : memref<!tpu.dma_semaphore, #tpu.memory_space<semaphore_mem>>
      %dma_start3A = arith.constant 0 : i32
      %dma_start3A_20 = tpu.memref_slice %arg10[%mul3A_7, %dma_start3A] : memref<10112x64xf32, #tpu.memory_space<vmem_shared>> -> memref<632x64xf32, #tpu.memory_space<vmem_shared>>
      %dma_start3A_21 = arith.constant 0 : i32
      %dma_start3A_22 = tpu.memref_slice %arg10[%mul3A_7, %dma_start3A_21] : memref<10112x64xf32, #tpu.memory_space<vmem_shared>> -> memref<632x64xf32, #tpu.memory_space<vmem_shared>>
      tpu.enqueue_dma source(%arg9 : memref<632x64xf32, #tpu.memory_space<vmem>>) target(%dma_start3A_22 : memref<632x64xf32, #tpu.memory_space<vmem_shared>>) target_semaphore(%run_scoped3A : memref<!tpu.dma_semaphore, #tpu.memory_space<semaphore_mem>>)
      %dma_wait3A = arith.constant 0 : i32
      %dma_wait3A_23 = tpu.memref_slice %arg10[%mul3A_7, %dma_wait3A] : memref<10112x64xf32, #tpu.memory_space<vmem_shared>> -> memref<632x64xf32, #tpu.memory_space<vmem_shared>>
      %dma_wait3A_24 = arith.constant 0 : i32
      %dma_wait3A_25 = tpu.memref_slice %arg10[%mul3A_7, %dma_wait3A_24] : memref<10112x64xf32, #tpu.memory_space<vmem_shared>> -> memref<632x64xf32, #tpu.memory_space<vmem_shared>>
      tpu.wait_dma2 semaphore(%run_scoped3A : memref<!tpu.dma_semaphore, #tpu.memory_space<semaphore_mem>>) src(%arg9 : memref<632x64xf32, #tpu.memory_space<vmem>>) dst(%dma_wait3A_25 : memref<632x64xf32, #tpu.memory_space<vmem_shared>>)
      tpu.yield
    }) : () -> ()
    %barrier3A = arith.constant 0 : index
    tpu.barrier barrier_id(%barrier3A)
    "tpu.region"() ({
      %run_scoped3A = tpu.sem_alloc : memref<!tpu.dma_semaphore, #tpu.memory_space<semaphore_mem>>
      %dma_start3A = arith.constant 0 : i32
      %dma_start3A_20 = arith.constant 0 : i32
      %dma_start3A_21 = tpu.memref_slice %arg3[%arg1, %dma_start3A, %dma_start3A_20] : memref<16x157x128xi32, #tpu.memory_space<hbm>> -> memref<1x157x128xi32, #tpu.memory_space<hbm>>
      %dma_start3A_22 = tpu.memref_squeeze %dma_start3A_21 : memref<1x157x128xi32, #tpu.memory_space<hbm>> -> memref<157x128xi32, #tpu.memory_space<hbm>>
      %dma_start3A_23 = arith.constant 0 : i32
      %dma_start3A_24 = arith.constant 0 : i32
      %dma_start3A_25 = tpu.memref_slice %arg3[%arg1, %dma_start3A_23, %dma_start3A_24] : memref<16x157x128xi32, #tpu.memory_space<hbm>> -> memref<1x157x128xi32, #tpu.memory_space<hbm>>
      %dma_start3A_26 = tpu.memref_squeeze %dma_start3A_25 : memref<1x157x128xi32, #tpu.memory_space<hbm>> -> memref<157x128xi32, #tpu.memory_space<hbm>>
      tpu.enqueue_dma source(%dma_start3A_26 : memref<157x128xi32, #tpu.memory_space<hbm>>) target(%arg6 : memref<157x128xi32, #tpu.memory_space<vmem>>) target_semaphore(%run_scoped3A : memref<!tpu.dma_semaphore, #tpu.memory_space<semaphore_mem>>)
      %dma_wait3A = arith.constant 0 : i32
      %dma_wait3A_27 = arith.constant 0 : i32
      %dma_wait3A_28 = tpu.memref_slice %arg3[%arg1, %dma_wait3A, %dma_wait3A_27] : memref<16x157x128xi32, #tpu.memory_space<hbm>> -> memref<1x157x128xi32, #tpu.memory_space<hbm>>
      %dma_wait3A_29 = tpu.memref_squeeze %dma_wait3A_28 : memref<1x157x128xi32, #tpu.memory_space<hbm>> -> memref<157x128xi32, #tpu.memory_space<hbm>>
      %dma_wait3A_30 = arith.constant 0 : i32
      %dma_wait3A_31 = arith.constant 0 : i32
      %dma_wait3A_32 = tpu.memref_slice %arg3[%arg1, %dma_wait3A_30, %dma_wait3A_31] : memref<16x157x128xi32, #tpu.memory_space<hbm>> -> memref<1x157x128xi32, #tpu.memory_space<hbm>>
      %dma_wait3A_33 = tpu.memref_squeeze %dma_wait3A_32 : memref<1x157x128xi32, #tpu.memory_space<hbm>> -> memref<157x128xi32, #tpu.memory_space<hbm>>
      tpu.wait_dma2 semaphore(%run_scoped3A : memref<!tpu.dma_semaphore, #tpu.memory_space<semaphore_mem>>) src(%dma_wait3A_33 : memref<157x128xi32, #tpu.memory_space<hbm>>) dst(%arg6 : memref<157x128xi32, #tpu.memory_space<vmem>>)
      tpu.yield
    }) : () -> ()
    "tpu.region"() ({
      %run_scoped3A = tpu.sem_alloc : memref<!tpu.dma_semaphore, #tpu.memory_space<semaphore_mem>>
      %dma_start3A = arith.constant 0 : i32
      %dma_start3A_20 = arith.constant 0 : i32
      %dma_start3A_21 = tpu.memref_slice %arg4[%arg1, %dma_start3A, %dma_start3A_20] : memref<16x157x128xi32, #tpu.memory_space<hbm>> -> memref<1x157x128xi32, #tpu.memory_space<hbm>>
      %dma_start3A_22 = tpu.memref_squeeze %dma_start3A_21 : memref<1x157x128xi32, #tpu.memory_space<hbm>> -> memref<157x128xi32, #tpu.memory_space<hbm>>
      %dma_start3A_23 = arith.constant 0 : i32
      %dma_start3A_24 = arith.constant 0 : i32
      %dma_start3A_25 = tpu.memref_slice %arg4[%arg1, %dma_start3A_23, %dma_start3A_24] : memref<16x157x128xi32, #tpu.memory_space<hbm>> -> memref<1x157x128xi32, #tpu.memory_space<hbm>>
      %dma_start3A_26 = tpu.memref_squeeze %dma_start3A_25 : memref<1x157x128xi32, #tpu.memory_space<hbm>> -> memref<157x128xi32, #tpu.memory_space<hbm>>
      tpu.enqueue_dma source(%dma_start3A_26 : memref<157x128xi32, #tpu.memory_space<hbm>>) target(%arg7 : memref<157x128xi32, #tpu.memory_space<vmem>>) target_semaphore(%run_scoped3A : memref<!tpu.dma_semaphore, #tpu.memory_space<semaphore_mem>>)
      %dma_wait3A = arith.constant 0 : i32
      %dma_wait3A_27 = arith.constant 0 : i32
      %dma_wait3A_28 = tpu.memref_slice %arg4[%arg1, %dma_wait3A, %dma_wait3A_27] : memref<16x157x128xi32, #tpu.memory_space<hbm>> -> memref<1x157x128xi32, #tpu.memory_space<hbm>>
      %dma_wait3A_29 = tpu.memref_squeeze %dma_wait3A_28 : memref<1x157x128xi32, #tpu.memory_space<hbm>> -> memref<157x128xi32, #tpu.memory_space<hbm>>
      %dma_wait3A_30 = arith.constant 0 : i32
      %dma_wait3A_31 = arith.constant 0 : i32
      %dma_wait3A_32 = tpu.memref_slice %arg4[%arg1, %dma_wait3A_30, %dma_wait3A_31] : memref<16x157x128xi32, #tpu.memory_space<hbm>> -> memref<1x157x128xi32, #tpu.memory_space<hbm>>
      %dma_wait3A_33 = tpu.memref_squeeze %dma_wait3A_32 : memref<1x157x128xi32, #tpu.memory_space<hbm>> -> memref<157x128xi32, #tpu.memory_space<hbm>>
      tpu.wait_dma2 semaphore(%run_scoped3A : memref<!tpu.dma_semaphore, #tpu.memory_space<semaphore_mem>>) src(%dma_wait3A_33 : memref<157x128xi32, #tpu.memory_space<hbm>>) dst(%arg7 : memref<157x128xi32, #tpu.memory_space<vmem>>)
      tpu.yield
    }) : () -> ()
    %scan3A_8 = arith.constant 0 : i32
    %scan3A_9 = arith.constant 0 : i32
    %scan3A_10 = arith.constant 157 : i32
    %scan3A_11 = arith.addi %scan3A_9, %scan3A_10 : i32
    %scan3A_12 = arith.constant 1 : i32
    %scan3A_13 = scf.for %scan3A_20 = %scan3A_9 to %scan3A_11 step %scan3A_12 iter_args(%scan3A_21 = %scan3A_8) -> (i32)  : i32 {
      %dma_start3A = arith.constant 0 : i32
      %dma_start3A_22 = tpu.memref_slice %arg6[%scan3A_20, %dma_start3A] : memref<157x128xi32, #tpu.memory_space<vmem>> -> memref<1x128xi32, #tpu.memory_space<vmem>>
      %dma_start3A_23 = tpu.memref_squeeze %dma_start3A_22 : memref<1x128xi32, #tpu.memory_space<vmem>> -> memref<128xi32, #tpu.memory_space<vmem>>
      %dma_start3A_24 = arith.constant 0 : i32
      %dma_start3A_25 = arith.constant 0 : i32
      %dma_start3A_26 = tpu.memref_slice %arg2[%arg0, %dma_start3A_24, %dma_start3A_25] : memref<2x10000x64xf32, #tpu.memory_space<hbm>> -> memref<1x10000x64xf32, #tpu.memory_space<hbm>>
      %dma_start3A_27 = tpu.memref_squeeze %dma_start3A_26 : memref<1x10000x64xf32, #tpu.memory_space<hbm>> -> memref<10000x64xf32, #tpu.memory_space<hbm>>
      %dma_start3A_28 = arith.constant 0 : i32
      %dma_start3A_29 = arith.constant 0 : i32
      %dma_start3A_30 = tpu.memref_slice %dma_start3A_27[%dma_start3A_28, %dma_start3A_29] : memref<10000x64xf32, #tpu.memory_space<hbm>> -> memref<10000x64xf32, #tpu.memory_space<hbm>>
      tpu.enqueue_indirect_dma source(%dma_start3A_30 : memref<10000x64xf32, #tpu.memory_space<hbm>>) target(%arg8 : memref<128x64xf32, #tpu.memory_space<vmem>>) offsets(%dma_start3A_23 : memref<128xi32, #tpu.memory_space<vmem>>) semaphore(%arg11 : memref<!tpu.dma_semaphore, #tpu.memory_space<semaphore_mem>>)
      %dma_wait3A = arith.constant 0 : i32
      %dma_wait3A_31 = tpu.memref_slice %arg6[%scan3A_20, %dma_wait3A] : memref<157x128xi32, #tpu.memory_space<vmem>> -> memref<1x128xi32, #tpu.memory_space<vmem>>
      %dma_wait3A_32 = tpu.memref_squeeze %dma_wait3A_31 : memref<1x128xi32, #tpu.memory_space<vmem>> -> memref<128xi32, #tpu.memory_space<vmem>>
      %dma_wait3A_33 = arith.constant 0 : i32
      %dma_wait3A_34 = arith.constant 0 : i32
      %dma_wait3A_35 = tpu.memref_slice %arg2[%arg0, %dma_wait3A_33, %dma_wait3A_34] : memref<2x10000x64xf32, #tpu.memory_space<hbm>> -> memref<1x10000x64xf32, #tpu.memory_space<hbm>>
      %dma_wait3A_36 = tpu.memref_squeeze %dma_wait3A_35 : memref<1x10000x64xf32, #tpu.memory_space<hbm>> -> memref<10000x64xf32, #tpu.memory_space<hbm>>
      %dma_wait3A_37 = arith.constant 0 : i32
      %dma_wait3A_38 = arith.constant 0 : i32
      %dma_wait3A_39 = tpu.memref_slice %dma_wait3A_36[%dma_wait3A_37, %dma_wait3A_38] : memref<10000x64xf32, #tpu.memory_space<hbm>> -> memref<10000x64xf32, #tpu.memory_space<hbm>>
      tpu.wait_indirect_dma semaphore(%arg11 : memref<!tpu.dma_semaphore, #tpu.memory_space<semaphore_mem>>) src(%dma_wait3A_39 : memref<10000x64xf32, #tpu.memory_space<hbm>>) dst(%arg8 : memref<128x64xf32, #tpu.memory_space<vmem>>)
      "tpu.region"() ({
        %run_scoped3A = tpu.sem_alloc : memref<!tpu.dma_semaphore, #tpu.memory_space<semaphore_mem>>
        %dma_start3A_41 = arith.constant 0 : i32
        %dma_start3A_42 = tpu.memref_slice %arg7[%scan3A_20, %dma_start3A_41] : memref<157x128xi32, #tpu.memory_space<vmem>> -> memref<1x128xi32, #tpu.memory_space<vmem>>
        %dma_start3A_43 = tpu.memref_squeeze %dma_start3A_42 : memref<1x128xi32, #tpu.memory_space<vmem>> -> memref<128xi32, #tpu.memory_space<vmem>>
        %dma_start3A_44 = arith.constant 0 : i32
        %dma_start3A_45 = arith.constant 0 : i32
        %dma_start3A_46 = tpu.memref_slice %arg10[%dma_start3A_44, %dma_start3A_45] : memref<10112x64xf32, #tpu.memory_space<vmem_shared>> -> memref<10112x64xf32, #tpu.memory_space<vmem_shared>>
        tpu.enqueue_indirect_dma source(%arg8 : memref<128x64xf32, #tpu.memory_space<vmem>>) target(%dma_start3A_46 : memref<10112x64xf32, #tpu.memory_space<vmem_shared>>) offsets(%dma_start3A_43 : memref<128xi32, #tpu.memory_space<vmem>>) semaphore(%run_scoped3A : memref<!tpu.dma_semaphore, #tpu.memory_space<semaphore_mem>>) {add = true}
        %dma_wait3A_47 = arith.constant 0 : i32
        %dma_wait3A_48 = tpu.memref_slice %arg7[%scan3A_20, %dma_wait3A_47] : memref<157x128xi32, #tpu.memory_space<vmem>> -> memref<1x128xi32, #tpu.memory_space<vmem>>
        %dma_wait3A_49 = tpu.memref_squeeze %dma_wait3A_48 : memref<1x128xi32, #tpu.memory_space<vmem>> -> memref<128xi32, #tpu.memory_space<vmem>>
        %dma_wait3A_50 = arith.constant 0 : i32
        %dma_wait3A_51 = arith.constant 0 : i32
        %dma_wait3A_52 = tpu.memref_slice %arg10[%dma_wait3A_50, %dma_wait3A_51] : memref<10112x64xf32, #tpu.memory_space<vmem_shared>> -> memref<10112x64xf32, #tpu.memory_space<vmem_shared>>
        tpu.wait_indirect_dma semaphore(%run_scoped3A : memref<!tpu.dma_semaphore, #tpu.memory_space<semaphore_mem>>) src(%arg8 : memref<128x64xf32, #tpu.memory_space<vmem>>) dst(%dma_wait3A_52 : memref<10112x64xf32, #tpu.memory_space<vmem_shared>>)
        tpu.yield
      }) : () -> ()
      %scan3A_40 = arith.constant 0 : i32
      scf.yield %scan3A_40 : i32
    }
    %scan3A_14 = arith.constant 157 : i32
    %barrier3A_15 = arith.constant 0 : index
    tpu.barrier barrier_id(%barrier3A_15)
    %mul3A_16 = arith.constant 632 : i32
    %mul3A_17 = arith.muli %arg1, %mul3A_16 : i32
    "tpu.region"() ({
      %run_scoped3A = tpu.sem_alloc : memref<!tpu.dma_semaphore, #tpu.memory_space<semaphore_mem>>
      %dma_start3A = arith.constant 0 : i32
      %dma_start3A_20 = tpu.memref_slice %arg10[%mul3A_17, %dma_start3A] : memref<10112x64xf32, #tpu.memory_space<vmem_shared>> -> memref<632x64xf32, #tpu.memory_space<vmem_shared>>
      %dma_start3A_21 = arith.constant 0 : i32
      %dma_start3A_22 = tpu.memref_slice %arg10[%mul3A_17, %dma_start3A_21] : memref<10112x64xf32, #tpu.memory_space<vmem_shared>> -> memref<632x64xf32, #tpu.memory_space<vmem_shared>>
      tpu.enqueue_dma source(%dma_start3A_22 : memref<632x64xf32, #tpu.memory_space<vmem_shared>>) target(%arg9 : memref<632x64xf32, #tpu.memory_space<vmem>>) target_semaphore(%run_scoped3A : memref<!tpu.dma_semaphore, #tpu.memory_space<semaphore_mem>>)
      %dma_wait3A = arith.constant 0 : i32
      %dma_wait3A_23 = tpu.memref_slice %arg10[%mul3A_17, %dma_wait3A] : memref<10112x64xf32, #tpu.memory_space<vmem_shared>> -> memref<632x64xf32, #tpu.memory_space<vmem_shared>>
      %dma_wait3A_24 = arith.constant 0 : i32
      %dma_wait3A_25 = tpu.memref_slice %arg10[%mul3A_17, %dma_wait3A_24] : memref<10112x64xf32, #tpu.memory_space<vmem_shared>> -> memref<632x64xf32, #tpu.memory_space<vmem_shared>>
      tpu.wait_dma2 semaphore(%run_scoped3A : memref<!tpu.dma_semaphore, #tpu.memory_space<semaphore_mem>>) src(%dma_wait3A_25 : memref<632x64xf32, #tpu.memory_space<vmem_shared>>) dst(%arg9 : memref<632x64xf32, #tpu.memory_space<vmem>>)
      tpu.yield
    }) : () -> ()
    %mul3A_18 = arith.constant 632 : i32
    %mul3A_19 = arith.muli %arg1, %mul3A_18 : i32
    "tpu.region"() ({
      %run_scoped3A = tpu.sem_alloc : memref<!tpu.dma_semaphore, #tpu.memory_space<semaphore_mem>>
      %dma_start3A = arith.constant 0 : i32
      %dma_start3A_20 = tpu.memref_slice %arg5[%arg0, %mul3A_19, %dma_start3A] : memref<2x10112x64xf32, #tpu.memory_space<hbm>> -> memref<1x632x64xf32, #tpu.memory_space<hbm>>
      %dma_start3A_21 = tpu.memref_squeeze %dma_start3A_20 : memref<1x632x64xf32, #tpu.memory_space<hbm>> -> memref<632x64xf32, #tpu.memory_space<hbm>>
      %dma_start3A_22 = arith.constant 0 : i32
      %dma_start3A_23 = tpu.memref_slice %arg5[%arg0, %mul3A_19, %dma_start3A_22] : memref<2x10112x64xf32, #tpu.memory_space<hbm>> -> memref<1x632x64xf32, #tpu.memory_space<hbm>>
      %dma_start3A_24 = tpu.memref_squeeze %dma_start3A_23 : memref<1x632x64xf32, #tpu.memory_space<hbm>> -> memref<632x64xf32, #tpu.memory_space<hbm>>
      tpu.enqueue_dma source(%arg9 : memref<632x64xf32, #tpu.memory_space<vmem>>) target(%dma_start3A_24 : memref<632x64xf32, #tpu.memory_space<hbm>>) target_semaphore(%run_scoped3A : memref<!tpu.dma_semaphore, #tpu.memory_space<semaphore_mem>>)
      %dma_wait3A = arith.constant 0 : i32
      %dma_wait3A_25 = tpu.memref_slice %arg5[%arg0, %mul3A_19, %dma_wait3A] : memref<2x10112x64xf32, #tpu.memory_space<hbm>> -> memref<1x632x64xf32, #tpu.memory_space<hbm>>
      %dma_wait3A_26 = tpu.memref_squeeze %dma_wait3A_25 : memref<1x632x64xf32, #tpu.memory_space<hbm>> -> memref<632x64xf32, #tpu.memory_space<hbm>>
      %dma_wait3A_27 = arith.constant 0 : i32
      %dma_wait3A_28 = tpu.memref_slice %arg5[%arg0, %mul3A_19, %dma_wait3A_27] : memref<2x10112x64xf32, #tpu.memory_space<hbm>> -> memref<1x632x64xf32, #tpu.memory_space<hbm>>
      %dma_wait3A_29 = tpu.memref_squeeze %dma_wait3A_28 : memref<1x632x64xf32, #tpu.memory_space<hbm>> -> memref<632x64xf32, #tpu.memory_space<hbm>>
      tpu.wait_dma2 semaphore(%run_scoped3A : memref<!tpu.dma_semaphore, #tpu.memory_space<semaphore_mem>>) src(%arg9 : memref<632x64xf32, #tpu.memory_space<vmem>>) dst(%dma_wait3A_29 : memref<632x64xf32, #tpu.memory_space<hbm>>)
      tpu.yield
    }) : () -> ()
    return
  }
}

#map = affine_map<(d0, d1) -> (0, 0, 0)>
module attributes {stable_mosaic.version = 14 : i64} {
  func.func @_deg_body(%arg0: i32, %arg1: i32, %arg2: memref<32x79x128xi32, #tpu.memory_space<hbm>>, %arg3: memref<2x10112x16xf32, #tpu.memory_space<hbm>>, %arg4: memref<79x128xi32, #tpu.memory_space<vmem>>, %arg5: memref<128x16xf32, #tpu.memory_space<vmem>>, %arg6: memref<632x16xf32, #tpu.memory_space<vmem>>, %arg7: memref<10112x16xf32, #tpu.memory_space<vmem_shared>>, %arg8: memref<!tpu.dma_semaphore, #tpu.memory_space<semaphore_mem>>) attributes {dimension_semantics = [#tpu.dimension_semantics<core_parallel>, #tpu.dimension_semantics<subcore_parallel>], iteration_bounds = array<i64: 2, 16>, scalar_prefetch = 0 : i64, scratch_operands = 5 : i64, tpu.core_type = #tpu.core_type<sc_vector_subcore>, window_params = [{transform_indices = #map}, {transform_indices = #map}]} {
    %mul3A = arith.constant 16 : i32
    %mul3A_0 = arith.muli %arg0, %mul3A : i32
    %add3A = arith.addi %mul3A_0, %arg1 : i32
    %broadcast_in_dim3A = arith.constant 1.000000e+00 : f32
    %broadcast_in_dim3A_1 = vector.broadcast %broadcast_in_dim3A : f32 to vector<16xf32>
    %scan3A = arith.constant 0 : i32
    %scan3A_2 = arith.constant 0 : i32
    %scan3A_3 = arith.constant 128 : i32
    %scan3A_4 = arith.addi %scan3A_2, %scan3A_3 : i32
    %scan3A_5 = arith.constant 1 : i32
    %scan3A_6 = scf.for %scan3A_31 = %scan3A_2 to %scan3A_4 step %scan3A_5 iter_args(%scan3A_32 = %scan3A) -> (i32)  : i32 {
      %swap3A = arith.index_cast %scan3A_31 : i32 to index
      %swap3A_33 = arith.constant 0 : index
      %swap3A_34 = tpu.vector_load %arg5[%swap3A, %swap3A_33] {strides = array<i32>} : memref<128x16xf32, #tpu.memory_space<vmem>>, vector<1x16xf32>,
      %swap3A_35 = vector.shape_cast %swap3A_34 : vector<1x16xf32> to vector<16xf32>
      %swap3A_36 = vector.shape_cast %broadcast_in_dim3A_1 : vector<16xf32> to vector<1x16xf32>
      tpu.vector_store %arg5[%swap3A, %swap3A_33], %swap3A_36 {strides = array<i32>} : memref<128x16xf32, #tpu.memory_space<vmem>>, vector<1x16xf32>,
      %scan3A_37 = arith.constant 0 : i32
      scf.yield %scan3A_37 : i32
    }
    %scan3A_7 = arith.constant 128 : i32
    %broadcast_in_dim3A_8 = arith.constant 0.000000e+00 : f32
    %broadcast_in_dim3A_9 = vector.broadcast %broadcast_in_dim3A_8 : f32 to vector<16xf32>
    %scan3A_10 = arith.constant 0 : i32
    %scan3A_11 = arith.constant 0 : i32
    %scan3A_12 = arith.constant 632 : i32
    %scan3A_13 = arith.addi %scan3A_11, %scan3A_12 : i32
    %scan3A_14 = arith.constant 1 : i32
    %scan3A_15 = scf.for %scan3A_31 = %scan3A_11 to %scan3A_13 step %scan3A_14 iter_args(%scan3A_32 = %scan3A_10) -> (i32)  : i32 {
      %swap3A = arith.index_cast %scan3A_31 : i32 to index
      %swap3A_33 = arith.constant 0 : index
      %swap3A_34 = tpu.vector_load %arg6[%swap3A, %swap3A_33] {strides = array<i32>} : memref<632x16xf32, #tpu.memory_space<vmem>>, vector<1x16xf32>,
      %swap3A_35 = vector.shape_cast %swap3A_34 : vector<1x16xf32> to vector<16xf32>
      %swap3A_36 = vector.shape_cast %broadcast_in_dim3A_9 : vector<16xf32> to vector<1x16xf32>
      tpu.vector_store %arg6[%swap3A, %swap3A_33], %swap3A_36 {strides = array<i32>} : memref<632x16xf32, #tpu.memory_space<vmem>>, vector<1x16xf32>,
      %scan3A_37 = arith.constant 0 : i32
      scf.yield %scan3A_37 : i32
    }
    %scan3A_16 = arith.constant 632 : i32
    %mul3A_17 = arith.constant 632 : i32
    %mul3A_18 = arith.muli %arg1, %mul3A_17 : i32
    "tpu.region"() ({
      %run_scoped3A = tpu.sem_alloc : memref<!tpu.dma_semaphore, #tpu.memory_space<semaphore_mem>>
      %dma_start3A = arith.constant 0 : i32
      %dma_start3A_31 = tpu.memref_slice %arg7[%mul3A_18, %dma_start3A] : memref<10112x16xf32, #tpu.memory_space<vmem_shared>> -> memref<632x16xf32, #tpu.memory_space<vmem_shared>>
      %dma_start3A_32 = arith.constant 0 : i32
      %dma_start3A_33 = tpu.memref_slice %arg7[%mul3A_18, %dma_start3A_32] : memref<10112x16xf32, #tpu.memory_space<vmem_shared>> -> memref<632x16xf32, #tpu.memory_space<vmem_shared>>
      tpu.enqueue_dma source(%arg6 : memref<632x16xf32, #tpu.memory_space<vmem>>) target(%dma_start3A_33 : memref<632x16xf32, #tpu.memory_space<vmem_shared>>) target_semaphore(%run_scoped3A : memref<!tpu.dma_semaphore, #tpu.memory_space<semaphore_mem>>)
      %dma_wait3A = arith.constant 0 : i32
      %dma_wait3A_34 = tpu.memref_slice %arg7[%mul3A_18, %dma_wait3A] : memref<10112x16xf32, #tpu.memory_space<vmem_shared>> -> memref<632x16xf32, #tpu.memory_space<vmem_shared>>
      %dma_wait3A_35 = arith.constant 0 : i32
      %dma_wait3A_36 = tpu.memref_slice %arg7[%mul3A_18, %dma_wait3A_35] : memref<10112x16xf32, #tpu.memory_space<vmem_shared>> -> memref<632x16xf32, #tpu.memory_space<vmem_shared>>
      tpu.wait_dma2 semaphore(%run_scoped3A : memref<!tpu.dma_semaphore, #tpu.memory_space<semaphore_mem>>) src(%arg6 : memref<632x16xf32, #tpu.memory_space<vmem>>) dst(%dma_wait3A_36 : memref<632x16xf32, #tpu.memory_space<vmem_shared>>)
      tpu.yield
    }) : () -> ()
    %barrier3A = arith.constant 0 : index
    tpu.barrier barrier_id(%barrier3A)
    "tpu.region"() ({
      %run_scoped3A = tpu.sem_alloc : memref<!tpu.dma_semaphore, #tpu.memory_space<semaphore_mem>>
      %dma_start3A = arith.constant 0 : i32
      %dma_start3A_31 = arith.constant 0 : i32
      %dma_start3A_32 = tpu.memref_slice %arg2[%add3A, %dma_start3A, %dma_start3A_31] : memref<32x79x128xi32, #tpu.memory_space<hbm>> -> memref<1x79x128xi32, #tpu.memory_space<hbm>>
      %dma_start3A_33 = tpu.memref_squeeze %dma_start3A_32 : memref<1x79x128xi32, #tpu.memory_space<hbm>> -> memref<79x128xi32, #tpu.memory_space<hbm>>
      %dma_start3A_34 = arith.constant 0 : i32
      %dma_start3A_35 = arith.constant 0 : i32
      %dma_start3A_36 = tpu.memref_slice %arg2[%add3A, %dma_start3A_34, %dma_start3A_35] : memref<32x79x128xi32, #tpu.memory_space<hbm>> -> memref<1x79x128xi32, #tpu.memory_space<hbm>>
      %dma_start3A_37 = tpu.memref_squeeze %dma_start3A_36 : memref<1x79x128xi32, #tpu.memory_space<hbm>> -> memref<79x128xi32, #tpu.memory_space<hbm>>
      tpu.enqueue_dma source(%dma_start3A_37 : memref<79x128xi32, #tpu.memory_space<hbm>>) target(%arg4 : memref<79x128xi32, #tpu.memory_space<vmem>>) target_semaphore(%run_scoped3A : memref<!tpu.dma_semaphore, #tpu.memory_space<semaphore_mem>>)
      %dma_wait3A = arith.constant 0 : i32
      %dma_wait3A_38 = arith.constant 0 : i32
      %dma_wait3A_39 = tpu.memref_slice %arg2[%add3A, %dma_wait3A, %dma_wait3A_38] : memref<32x79x128xi32, #tpu.memory_space<hbm>> -> memref<1x79x128xi32, #tpu.memory_space<hbm>>
      %dma_wait3A_40 = tpu.memref_squeeze %dma_wait3A_39 : memref<1x79x128xi32, #tpu.memory_space<hbm>> -> memref<79x128xi32, #tpu.memory_space<hbm>>
      %dma_wait3A_41 = arith.constant 0 : i32
      %dma_wait3A_42 = arith.constant 0 : i32
      %dma_wait3A_43 = tpu.memref_slice %arg2[%add3A, %dma_wait3A_41, %dma_wait3A_42] : memref<32x79x128xi32, #tpu.memory_space<hbm>> -> memref<1x79x128xi32, #tpu.memory_space<hbm>>
      %dma_wait3A_44 = tpu.memref_squeeze %dma_wait3A_43 : memref<1x79x128xi32, #tpu.memory_space<hbm>> -> memref<79x128xi32, #tpu.memory_space<hbm>>
      tpu.wait_dma2 semaphore(%run_scoped3A : memref<!tpu.dma_semaphore, #tpu.memory_space<semaphore_mem>>) src(%dma_wait3A_44 : memref<79x128xi32, #tpu.memory_space<hbm>>) dst(%arg4 : memref<79x128xi32, #tpu.memory_space<vmem>>)
      tpu.yield
    }) : () -> ()
    %scan3A_19 = arith.constant 0 : i32
    %scan3A_20 = arith.constant 0 : i32
    %scan3A_21 = arith.constant 79 : i32
    %scan3A_22 = arith.addi %scan3A_20, %scan3A_21 : i32
    %scan3A_23 = arith.constant 1 : i32
    %scan3A_24 = scf.for %scan3A_31 = %scan3A_20 to %scan3A_22 step %scan3A_23 iter_args(%scan3A_32 = %scan3A_19) -> (i32)  : i32 {
      "tpu.region"() ({
        %run_scoped3A = tpu.sem_alloc : memref<!tpu.dma_semaphore, #tpu.memory_space<semaphore_mem>>
        %dma_start3A = arith.constant 0 : i32
        %dma_start3A_34 = tpu.memref_slice %arg4[%scan3A_31, %dma_start3A] : memref<79x128xi32, #tpu.memory_space<vmem>> -> memref<1x128xi32, #tpu.memory_space<vmem>>
        %dma_start3A_35 = tpu.memref_squeeze %dma_start3A_34 : memref<1x128xi32, #tpu.memory_space<vmem>> -> memref<128xi32, #tpu.memory_space<vmem>>
        %dma_start3A_36 = arith.constant 0 : i32
        %dma_start3A_37 = arith.constant 0 : i32
        %dma_start3A_38 = tpu.memref_slice %arg7[%dma_start3A_36, %dma_start3A_37] : memref<10112x16xf32, #tpu.memory_space<vmem_shared>> -> memref<10112x16xf32, #tpu.memory_space<vmem_shared>>
        tpu.enqueue_indirect_dma source(%arg5 : memref<128x16xf32, #tpu.memory_space<vmem>>) target(%dma_start3A_38 : memref<10112x16xf32, #tpu.memory_space<vmem_shared>>) offsets(%dma_start3A_35 : memref<128xi32, #tpu.memory_space<vmem>>) semaphore(%run_scoped3A : memref<!tpu.dma_semaphore, #tpu.memory_space<semaphore_mem>>) {add = true}
        %dma_wait3A = arith.constant 0 : i32
        %dma_wait3A_39 = tpu.memref_slice %arg4[%scan3A_31, %dma_wait3A] : memref<79x128xi32, #tpu.memory_space<vmem>> -> memref<1x128xi32, #tpu.memory_space<vmem>>
        %dma_wait3A_40 = tpu.memref_squeeze %dma_wait3A_39 : memref<1x128xi32, #tpu.memory_space<vmem>> -> memref<128xi32, #tpu.memory_space<vmem>>
        %dma_wait3A_41 = arith.constant 0 : i32
        %dma_wait3A_42 = arith.constant 0 : i32
        %dma_wait3A_43 = tpu.memref_slice %arg7[%dma_wait3A_41, %dma_wait3A_42] : memref<10112x16xf32, #tpu.memory_space<vmem_shared>> -> memref<10112x16xf32, #tpu.memory_space<vmem_shared>>
        tpu.wait_indirect_dma semaphore(%run_scoped3A : memref<!tpu.dma_semaphore, #tpu.memory_space<semaphore_mem>>) src(%arg5 : memref<128x16xf32, #tpu.memory_space<vmem>>) dst(%dma_wait3A_43 : memref<10112x16xf32, #tpu.memory_space<vmem_shared>>)
        tpu.yield
      }) : () -> ()
      %scan3A_33 = arith.constant 0 : i32
      scf.yield %scan3A_33 : i32
    }
    %scan3A_25 = arith.constant 79 : i32
    %barrier3A_26 = arith.constant 0 : index
    tpu.barrier barrier_id(%barrier3A_26)
    %mul3A_27 = arith.constant 632 : i32
    %mul3A_28 = arith.muli %arg1, %mul3A_27 : i32
    "tpu.region"() ({
      %run_scoped3A = tpu.sem_alloc : memref<!tpu.dma_semaphore, #tpu.memory_space<semaphore_mem>>
      %dma_start3A = arith.constant 0 : i32
      %dma_start3A_31 = tpu.memref_slice %arg7[%mul3A_28, %dma_start3A] : memref<10112x16xf32, #tpu.memory_space<vmem_shared>> -> memref<632x16xf32, #tpu.memory_space<vmem_shared>>
      %dma_start3A_32 = arith.constant 0 : i32
      %dma_start3A_33 = tpu.memref_slice %arg7[%mul3A_28, %dma_start3A_32] : memref<10112x16xf32, #tpu.memory_space<vmem_shared>> -> memref<632x16xf32, #tpu.memory_space<vmem_shared>>
      tpu.enqueue_dma source(%dma_start3A_33 : memref<632x16xf32, #tpu.memory_space<vmem_shared>>) target(%arg6 : memref<632x16xf32, #tpu.memory_space<vmem>>) target_semaphore(%run_scoped3A : memref<!tpu.dma_semaphore, #tpu.memory_space<semaphore_mem>>)
      %dma_wait3A = arith.constant 0 : i32
      %dma_wait3A_34 = tpu.memref_slice %arg7[%mul3A_28, %dma_wait3A] : memref<10112x16xf32, #tpu.memory_space<vmem_shared>> -> memref<632x16xf32, #tpu.memory_space<vmem_shared>>
      %dma_wait3A_35 = arith.constant 0 : i32
      %dma_wait3A_36 = tpu.memref_slice %arg7[%mul3A_28, %dma_wait3A_35] : memref<10112x16xf32, #tpu.memory_space<vmem_shared>> -> memref<632x16xf32, #tpu.memory_space<vmem_shared>>
      tpu.wait_dma2 semaphore(%run_scoped3A : memref<!tpu.dma_semaphore, #tpu.memory_space<semaphore_mem>>) src(%dma_wait3A_36 : memref<632x16xf32, #tpu.memory_space<vmem_shared>>) dst(%arg6 : memref<632x16xf32, #tpu.memory_space<vmem>>)
      tpu.yield
    }) : () -> ()
    %mul3A_29 = arith.constant 632 : i32
    %mul3A_30 = arith.muli %arg1, %mul3A_29 : i32
    "tpu.region"() ({
      %run_scoped3A = tpu.sem_alloc : memref<!tpu.dma_semaphore, #tpu.memory_space<semaphore_mem>>
      %dma_start3A = arith.constant 0 : i32
      %dma_start3A_31 = tpu.memref_slice %arg3[%arg0, %mul3A_30, %dma_start3A] : memref<2x10112x16xf32, #tpu.memory_space<hbm>> -> memref<1x632x16xf32, #tpu.memory_space<hbm>>
      %dma_start3A_32 = tpu.memref_squeeze %dma_start3A_31 : memref<1x632x16xf32, #tpu.memory_space<hbm>> -> memref<632x16xf32, #tpu.memory_space<hbm>>
      %dma_start3A_33 = arith.constant 0 : i32
      %dma_start3A_34 = tpu.memref_slice %arg3[%arg0, %mul3A_30, %dma_start3A_33] : memref<2x10112x16xf32, #tpu.memory_space<hbm>> -> memref<1x632x16xf32, #tpu.memory_space<hbm>>
      %dma_start3A_35 = tpu.memref_squeeze %dma_start3A_34 : memref<1x632x16xf32, #tpu.memory_space<hbm>> -> memref<632x16xf32, #tpu.memory_space<hbm>>
      tpu.enqueue_dma source(%arg6 : memref<632x16xf32, #tpu.memory_space<vmem>>) target(%dma_start3A_35 : memref<632x16xf32, #tpu.memory_space<hbm>>) target_semaphore(%run_scoped3A : memref<!tpu.dma_semaphore, #tpu.memory_space<semaphore_mem>>)
      %dma_wait3A = arith.constant 0 : i32
      %dma_wait3A_36 = tpu.memref_slice %arg3[%arg0, %mul3A_30, %dma_wait3A] : memref<2x10112x16xf32, #tpu.memory_space<hbm>> -> memref<1x632x16xf32, #tpu.memory_space<hbm>>
      %dma_wait3A_37 = tpu.memref_squeeze %dma_wait3A_36 : memref<1x632x16xf32, #tpu.memory_space<hbm>> -> memref<632x16xf32, #tpu.memory_space<hbm>>
      %dma_wait3A_38 = arith.constant 0 : i32
      %dma_wait3A_39 = tpu.memref_slice %arg3[%arg0, %mul3A_30, %dma_wait3A_38] : memref<2x10112x16xf32, #tpu.memory_space<hbm>> -> memref<1x632x16xf32, #tpu.memory_space<hbm>>
      %dma_wait3A_40 = tpu.memref_squeeze %dma_wait3A_39 : memref<1x632x16xf32, #tpu.memory_space<hbm>> -> memref<632x16xf32, #tpu.memory_space<hbm>>
      tpu.wait_dma2 semaphore(%run_scoped3A : memref<!tpu.dma_semaphore, #tpu.memory_space<semaphore_mem>>) src(%arg6 : memref<632x16xf32, #tpu.memory_space<vmem>>) dst(%dma_wait3A_40 : memref<632x16xf32, #tpu.memory_space<hbm>>)
      tpu.yield
    }) : () -> ()
    return
  }
}

#map = affine_map<(d0, d1) -> (0, 0, 0)>
module attributes {stable_mosaic.version = 14 : i64} {
  func.func @_agg_body(%arg0: i32, %arg1: i32, %arg2: memref<2x10000x64xf32, #tpu.memory_space<hbm>>, %arg3: memref<16x157x128xi32, #tpu.memory_space<hbm>>, %arg4: memref<16x157x128xi32, #tpu.memory_space<hbm>>, %arg5: memref<2x10112x64xf32, #tpu.memory_space<hbm>>, %arg6: memref<157x128xi32, #tpu.memory_space<vmem>>, %arg7: memref<157x128xi32, #tpu.memory_space<vmem>>, %arg8: memref<128x64xf32, #tpu.memory_space<vmem>>, %arg9: memref<632x64xf32, #tpu.memory_space<vmem>>, %arg10: memref<10112x64xf32, #tpu.memory_space<vmem_shared>>, %arg11: memref<!tpu.dma_semaphore, #tpu.memory_space<semaphore_mem>>) attributes {dimension_semantics = [#tpu.dimension_semantics<core_parallel>, #tpu.dimension_semantics<subcore_parallel>], iteration_bounds = array<i64: 2, 16>, scalar_prefetch = 0 : i64, scratch_operands = 6 : i64, tpu.core_type = #tpu.core_type<sc_vector_subcore>, window_params = [{transform_indices = #map}, {transform_indices = #map}, {transform_indices = #map}, {transform_indices = #map}]} {
    %broadcast_in_dim3A = arith.constant 0.000000e+00 : f32
    %broadcast_in_dim3A_0 = vector.broadcast %broadcast_in_dim3A : f32 to vector<16xf32>
    %scan3A = arith.constant 0 : i32
    %scan3A_1 = arith.constant 0 : i32
    %scan3A_2 = arith.constant 632 : i32
    %scan3A_3 = arith.addi %scan3A_1, %scan3A_2 : i32
    %scan3A_4 = arith.constant 1 : i32
    %scan3A_5 = scf.for %scan3A_20 = %scan3A_1 to %scan3A_3 step %scan3A_4 iter_args(%scan3A_21 = %scan3A) -> (i32)  : i32 {
      %swap3A = arith.index_cast %scan3A_20 : i32 to index
      %swap3A_22 = arith.constant 0 : index
      %swap3A_23 = tpu.vector_load %arg9[%swap3A, %swap3A_22] {strides = array<i32>} : memref<632x64xf32, #tpu.memory_space<vmem>>, vector<1x16xf32>,
      %swap3A_24 = vector.shape_cast %swap3A_23 : vector<1x16xf32> to vector<16xf32>
      %swap3A_25 = vector.shape_cast %broadcast_in_dim3A_0 : vector<16xf32> to vector<1x16xf32>
      tpu.vector_store %arg9[%swap3A, %swap3A_22], %swap3A_25 {strides = array<i32>} : memref<632x64xf32, #tpu.memory_space<vmem>>, vector<1x16xf32>,
      %swap3A_26 = arith.index_cast %scan3A_20 : i32 to index
      %swap3A_27 = arith.constant 16 : index
      %swap3A_28 = tpu.vector_load %arg9[%swap3A_26, %swap3A_27] {strides = array<i32>} : memref<632x64xf32, #tpu.memory_space<vmem>>, vector<1x16xf32>,
      %swap3A_29 = vector.shape_cast %swap3A_28 : vector<1x16xf32> to vector<16xf32>
      %swap3A_30 = vector.shape_cast %broadcast_in_dim3A_0 : vector<16xf32> to vector<1x16xf32>
      tpu.vector_store %arg9[%swap3A_26, %swap3A_27], %swap3A_30 {strides = array<i32>} : memref<632x64xf32, #tpu.memory_space<vmem>>, vector<1x16xf32>,
      %swap3A_31 = arith.index_cast %scan3A_20 : i32 to index
      %swap3A_32 = arith.constant 32 : index
      %swap3A_33 = tpu.vector_load %arg9[%swap3A_31, %swap3A_32] {strides = array<i32>} : memref<632x64xf32, #tpu.memory_space<vmem>>, vector<1x16xf32>,
      %swap3A_34 = vector.shape_cast %swap3A_33 : vector<1x16xf32> to vector<16xf32>
      %swap3A_35 = vector.shape_cast %broadcast_in_dim3A_0 : vector<16xf32> to vector<1x16xf32>
      tpu.vector_store %arg9[%swap3A_31, %swap3A_32], %swap3A_35 {strides = array<i32>} : memref<632x64xf32, #tpu.memory_space<vmem>>, vector<1x16xf32>,
      %swap3A_36 = arith.index_cast %scan3A_20 : i32 to index
      %swap3A_37 = arith.constant 48 : index
      %swap3A_38 = tpu.vector_load %arg9[%swap3A_36, %swap3A_37] {strides = array<i32>} : memref<632x64xf32, #tpu.memory_space<vmem>>, vector<1x16xf32>,
      %swap3A_39 = vector.shape_cast %swap3A_38 : vector<1x16xf32> to vector<16xf32>
      %swap3A_40 = vector.shape_cast %broadcast_in_dim3A_0 : vector<16xf32> to vector<1x16xf32>
      tpu.vector_store %arg9[%swap3A_36, %swap3A_37], %swap3A_40 {strides = array<i32>} : memref<632x64xf32, #tpu.memory_space<vmem>>, vector<1x16xf32>,
      %scan3A_41 = arith.constant 0 : i32
      scf.yield %scan3A_41 : i32
    }
    %scan3A_6 = arith.constant 632 : i32
    %mul3A = arith.constant 632 : i32
    %mul3A_7 = arith.muli %arg1, %mul3A : i32
    "tpu.region"() ({
      %run_scoped3A = tpu.sem_alloc : memref<!tpu.dma_semaphore, #tpu.memory_space<semaphore_mem>>
      %dma_start3A = arith.constant 0 : i32
      %dma_start3A_20 = tpu.memref_slice %arg10[%mul3A_7, %dma_start3A] : memref<10112x64xf32, #tpu.memory_space<vmem_shared>> -> memref<632x64xf32, #tpu.memory_space<vmem_shared>>
      %dma_start3A_21 = arith.constant 0 : i32
      %dma_start3A_22 = tpu.memref_slice %arg10[%mul3A_7, %dma_start3A_21] : memref<10112x64xf32, #tpu.memory_space<vmem_shared>> -> memref<632x64xf32, #tpu.memory_space<vmem_shared>>
      tpu.enqueue_dma source(%arg9 : memref<632x64xf32, #tpu.memory_space<vmem>>) target(%dma_start3A_22 : memref<632x64xf32, #tpu.memory_space<vmem_shared>>) target_semaphore(%run_scoped3A : memref<!tpu.dma_semaphore, #tpu.memory_space<semaphore_mem>>)
      %dma_wait3A = arith.constant 0 : i32
      %dma_wait3A_23 = tpu.memref_slice %arg10[%mul3A_7, %dma_wait3A] : memref<10112x64xf32, #tpu.memory_space<vmem_shared>> -> memref<632x64xf32, #tpu.memory_space<vmem_shared>>
      %dma_wait3A_24 = arith.constant 0 : i32
      %dma_wait3A_25 = tpu.memref_slice %arg10[%mul3A_7, %dma_wait3A_24] : memref<10112x64xf32, #tpu.memory_space<vmem_shared>> -> memref<632x64xf32, #tpu.memory_space<vmem_shared>>
      tpu.wait_dma2 semaphore(%run_scoped3A : memref<!tpu.dma_semaphore, #tpu.memory_space<semaphore_mem>>) src(%arg9 : memref<632x64xf32, #tpu.memory_space<vmem>>) dst(%dma_wait3A_25 : memref<632x64xf32, #tpu.memory_space<vmem_shared>>)
      tpu.yield
    }) : () -> ()
    %barrier3A = arith.constant 0 : index
    tpu.barrier barrier_id(%barrier3A)
    "tpu.region"() ({
      %run_scoped3A = tpu.sem_alloc : memref<!tpu.dma_semaphore, #tpu.memory_space<semaphore_mem>>
      %dma_start3A = arith.constant 0 : i32
      %dma_start3A_20 = arith.constant 0 : i32
      %dma_start3A_21 = tpu.memref_slice %arg3[%arg1, %dma_start3A, %dma_start3A_20] : memref<16x157x128xi32, #tpu.memory_space<hbm>> -> memref<1x157x128xi32, #tpu.memory_space<hbm>>
      %dma_start3A_22 = tpu.memref_squeeze %dma_start3A_21 : memref<1x157x128xi32, #tpu.memory_space<hbm>> -> memref<157x128xi32, #tpu.memory_space<hbm>>
      %dma_start3A_23 = arith.constant 0 : i32
      %dma_start3A_24 = arith.constant 0 : i32
      %dma_start3A_25 = tpu.memref_slice %arg3[%arg1, %dma_start3A_23, %dma_start3A_24] : memref<16x157x128xi32, #tpu.memory_space<hbm>> -> memref<1x157x128xi32, #tpu.memory_space<hbm>>
      %dma_start3A_26 = tpu.memref_squeeze %dma_start3A_25 : memref<1x157x128xi32, #tpu.memory_space<hbm>> -> memref<157x128xi32, #tpu.memory_space<hbm>>
      tpu.enqueue_dma source(%dma_start3A_26 : memref<157x128xi32, #tpu.memory_space<hbm>>) target(%arg6 : memref<157x128xi32, #tpu.memory_space<vmem>>) target_semaphore(%run_scoped3A : memref<!tpu.dma_semaphore, #tpu.memory_space<semaphore_mem>>)
      %dma_wait3A = arith.constant 0 : i32
      %dma_wait3A_27 = arith.constant 0 : i32
      %dma_wait3A_28 = tpu.memref_slice %arg3[%arg1, %dma_wait3A, %dma_wait3A_27] : memref<16x157x128xi32, #tpu.memory_space<hbm>> -> memref<1x157x128xi32, #tpu.memory_space<hbm>>
      %dma_wait3A_29 = tpu.memref_squeeze %dma_wait3A_28 : memref<1x157x128xi32, #tpu.memory_space<hbm>> -> memref<157x128xi32, #tpu.memory_space<hbm>>
      %dma_wait3A_30 = arith.constant 0 : i32
      %dma_wait3A_31 = arith.constant 0 : i32
      %dma_wait3A_32 = tpu.memref_slice %arg3[%arg1, %dma_wait3A_30, %dma_wait3A_31] : memref<16x157x128xi32, #tpu.memory_space<hbm>> -> memref<1x157x128xi32, #tpu.memory_space<hbm>>
      %dma_wait3A_33 = tpu.memref_squeeze %dma_wait3A_32 : memref<1x157x128xi32, #tpu.memory_space<hbm>> -> memref<157x128xi32, #tpu.memory_space<hbm>>
      tpu.wait_dma2 semaphore(%run_scoped3A : memref<!tpu.dma_semaphore, #tpu.memory_space<semaphore_mem>>) src(%dma_wait3A_33 : memref<157x128xi32, #tpu.memory_space<hbm>>) dst(%arg6 : memref<157x128xi32, #tpu.memory_space<vmem>>)
      tpu.yield
    }) : () -> ()
    "tpu.region"() ({
      %run_scoped3A = tpu.sem_alloc : memref<!tpu.dma_semaphore, #tpu.memory_space<semaphore_mem>>
      %dma_start3A = arith.constant 0 : i32
      %dma_start3A_20 = arith.constant 0 : i32
      %dma_start3A_21 = tpu.memref_slice %arg4[%arg1, %dma_start3A, %dma_start3A_20] : memref<16x157x128xi32, #tpu.memory_space<hbm>> -> memref<1x157x128xi32, #tpu.memory_space<hbm>>
      %dma_start3A_22 = tpu.memref_squeeze %dma_start3A_21 : memref<1x157x128xi32, #tpu.memory_space<hbm>> -> memref<157x128xi32, #tpu.memory_space<hbm>>
      %dma_start3A_23 = arith.constant 0 : i32
      %dma_start3A_24 = arith.constant 0 : i32
      %dma_start3A_25 = tpu.memref_slice %arg4[%arg1, %dma_start3A_23, %dma_start3A_24] : memref<16x157x128xi32, #tpu.memory_space<hbm>> -> memref<1x157x128xi32, #tpu.memory_space<hbm>>
      %dma_start3A_26 = tpu.memref_squeeze %dma_start3A_25 : memref<1x157x128xi32, #tpu.memory_space<hbm>> -> memref<157x128xi32, #tpu.memory_space<hbm>>
      tpu.enqueue_dma source(%dma_start3A_26 : memref<157x128xi32, #tpu.memory_space<hbm>>) target(%arg7 : memref<157x128xi32, #tpu.memory_space<vmem>>) target_semaphore(%run_scoped3A : memref<!tpu.dma_semaphore, #tpu.memory_space<semaphore_mem>>)
      %dma_wait3A = arith.constant 0 : i32
      %dma_wait3A_27 = arith.constant 0 : i32
      %dma_wait3A_28 = tpu.memref_slice %arg4[%arg1, %dma_wait3A, %dma_wait3A_27] : memref<16x157x128xi32, #tpu.memory_space<hbm>> -> memref<1x157x128xi32, #tpu.memory_space<hbm>>
      %dma_wait3A_29 = tpu.memref_squeeze %dma_wait3A_28 : memref<1x157x128xi32, #tpu.memory_space<hbm>> -> memref<157x128xi32, #tpu.memory_space<hbm>>
      %dma_wait3A_30 = arith.constant 0 : i32
      %dma_wait3A_31 = arith.constant 0 : i32
      %dma_wait3A_32 = tpu.memref_slice %arg4[%arg1, %dma_wait3A_30, %dma_wait3A_31] : memref<16x157x128xi32, #tpu.memory_space<hbm>> -> memref<1x157x128xi32, #tpu.memory_space<hbm>>
      %dma_wait3A_33 = tpu.memref_squeeze %dma_wait3A_32 : memref<1x157x128xi32, #tpu.memory_space<hbm>> -> memref<157x128xi32, #tpu.memory_space<hbm>>
      tpu.wait_dma2 semaphore(%run_scoped3A : memref<!tpu.dma_semaphore, #tpu.memory_space<semaphore_mem>>) src(%dma_wait3A_33 : memref<157x128xi32, #tpu.memory_space<hbm>>) dst(%arg7 : memref<157x128xi32, #tpu.memory_space<vmem>>)
      tpu.yield
    }) : () -> ()
    %scan3A_8 = arith.constant 0 : i32
    %scan3A_9 = arith.constant 0 : i32
    %scan3A_10 = arith.constant 157 : i32
    %scan3A_11 = arith.addi %scan3A_9, %scan3A_10 : i32
    %scan3A_12 = arith.constant 1 : i32
    %scan3A_13 = scf.for %scan3A_20 = %scan3A_9 to %scan3A_11 step %scan3A_12 iter_args(%scan3A_21 = %scan3A_8) -> (i32)  : i32 {
      %dma_start3A = arith.constant 0 : i32
      %dma_start3A_22 = tpu.memref_slice %arg6[%scan3A_20, %dma_start3A] : memref<157x128xi32, #tpu.memory_space<vmem>> -> memref<1x128xi32, #tpu.memory_space<vmem>>
      %dma_start3A_23 = tpu.memref_squeeze %dma_start3A_22 : memref<1x128xi32, #tpu.memory_space<vmem>> -> memref<128xi32, #tpu.memory_space<vmem>>
      %dma_start3A_24 = arith.constant 0 : i32
      %dma_start3A_25 = arith.constant 0 : i32
      %dma_start3A_26 = tpu.memref_slice %arg2[%arg0, %dma_start3A_24, %dma_start3A_25] : memref<2x10000x64xf32, #tpu.memory_space<hbm>> -> memref<1x10000x64xf32, #tpu.memory_space<hbm>>
      %dma_start3A_27 = tpu.memref_squeeze %dma_start3A_26 : memref<1x10000x64xf32, #tpu.memory_space<hbm>> -> memref<10000x64xf32, #tpu.memory_space<hbm>>
      %dma_start3A_28 = arith.constant 0 : i32
      %dma_start3A_29 = arith.constant 0 : i32
      %dma_start3A_30 = tpu.memref_slice %dma_start3A_27[%dma_start3A_28, %dma_start3A_29] : memref<10000x64xf32, #tpu.memory_space<hbm>> -> memref<10000x64xf32, #tpu.memory_space<hbm>>
      tpu.enqueue_indirect_dma source(%dma_start3A_30 : memref<10000x64xf32, #tpu.memory_space<hbm>>) target(%arg8 : memref<128x64xf32, #tpu.memory_space<vmem>>) offsets(%dma_start3A_23 : memref<128xi32, #tpu.memory_space<vmem>>) semaphore(%arg11 : memref<!tpu.dma_semaphore, #tpu.memory_space<semaphore_mem>>)
      %dma_wait3A = arith.constant 0 : i32
      %dma_wait3A_31 = tpu.memref_slice %arg6[%scan3A_20, %dma_wait3A] : memref<157x128xi32, #tpu.memory_space<vmem>> -> memref<1x128xi32, #tpu.memory_space<vmem>>
      %dma_wait3A_32 = tpu.memref_squeeze %dma_wait3A_31 : memref<1x128xi32, #tpu.memory_space<vmem>> -> memref<128xi32, #tpu.memory_space<vmem>>
      %dma_wait3A_33 = arith.constant 0 : i32
      %dma_wait3A_34 = arith.constant 0 : i32
      %dma_wait3A_35 = tpu.memref_slice %arg2[%arg0, %dma_wait3A_33, %dma_wait3A_34] : memref<2x10000x64xf32, #tpu.memory_space<hbm>> -> memref<1x10000x64xf32, #tpu.memory_space<hbm>>
      %dma_wait3A_36 = tpu.memref_squeeze %dma_wait3A_35 : memref<1x10000x64xf32, #tpu.memory_space<hbm>> -> memref<10000x64xf32, #tpu.memory_space<hbm>>
      %dma_wait3A_37 = arith.constant 0 : i32
      %dma_wait3A_38 = arith.constant 0 : i32
      %dma_wait3A_39 = tpu.memref_slice %dma_wait3A_36[%dma_wait3A_37, %dma_wait3A_38] : memref<10000x64xf32, #tpu.memory_space<hbm>> -> memref<10000x64xf32, #tpu.memory_space<hbm>>
      tpu.wait_indirect_dma semaphore(%arg11 : memref<!tpu.dma_semaphore, #tpu.memory_space<semaphore_mem>>) src(%dma_wait3A_39 : memref<10000x64xf32, #tpu.memory_space<hbm>>) dst(%arg8 : memref<128x64xf32, #tpu.memory_space<vmem>>)
      "tpu.region"() ({
        %run_scoped3A = tpu.sem_alloc : memref<!tpu.dma_semaphore, #tpu.memory_space<semaphore_mem>>
        %dma_start3A_41 = arith.constant 0 : i32
        %dma_start3A_42 = tpu.memref_slice %arg7[%scan3A_20, %dma_start3A_41] : memref<157x128xi32, #tpu.memory_space<vmem>> -> memref<1x128xi32, #tpu.memory_space<vmem>>
        %dma_start3A_43 = tpu.memref_squeeze %dma_start3A_42 : memref<1x128xi32, #tpu.memory_space<vmem>> -> memref<128xi32, #tpu.memory_space<vmem>>
        %dma_start3A_44 = arith.constant 0 : i32
        %dma_start3A_45 = arith.constant 0 : i32
        %dma_start3A_46 = tpu.memref_slice %arg10[%dma_start3A_44, %dma_start3A_45] : memref<10112x64xf32, #tpu.memory_space<vmem_shared>> -> memref<10112x64xf32, #tpu.memory_space<vmem_shared>>
        tpu.enqueue_indirect_dma source(%arg8 : memref<128x64xf32, #tpu.memory_space<vmem>>) target(%dma_start3A_46 : memref<10112x64xf32, #tpu.memory_space<vmem_shared>>) offsets(%dma_start3A_43 : memref<128xi32, #tpu.memory_space<vmem>>) semaphore(%run_scoped3A : memref<!tpu.dma_semaphore, #tpu.memory_space<semaphore_mem>>) {add = true}
        %dma_wait3A_47 = arith.constant 0 : i32
        %dma_wait3A_48 = tpu.memref_slice %arg7[%scan3A_20, %dma_wait3A_47] : memref<157x128xi32, #tpu.memory_space<vmem>> -> memref<1x128xi32, #tpu.memory_space<vmem>>
        %dma_wait3A_49 = tpu.memref_squeeze %dma_wait3A_48 : memref<1x128xi32, #tpu.memory_space<vmem>> -> memref<128xi32, #tpu.memory_space<vmem>>
        %dma_wait3A_50 = arith.constant 0 : i32
        %dma_wait3A_51 = arith.constant 0 : i32
        %dma_wait3A_52 = tpu.memref_slice %arg10[%dma_wait3A_50, %dma_wait3A_51] : memref<10112x64xf32, #tpu.memory_space<vmem_shared>> -> memref<10112x64xf32, #tpu.memory_space<vmem_shared>>
        tpu.wait_indirect_dma semaphore(%run_scoped3A : memref<!tpu.dma_semaphore, #tpu.memory_space<semaphore_mem>>) src(%arg8 : memref<128x64xf32, #tpu.memory_space<vmem>>) dst(%dma_wait3A_52 : memref<10112x64xf32, #tpu.memory_space<vmem_shared>>)
        tpu.yield
      }) : () -> ()
      %scan3A_40 = arith.constant 0 : i32
      scf.yield %scan3A_40 : i32
    }
    %scan3A_14 = arith.constant 157 : i32
    %barrier3A_15 = arith.constant 0 : index
    tpu.barrier barrier_id(%barrier3A_15)
    %mul3A_16 = arith.constant 632 : i32
    %mul3A_17 = arith.muli %arg1, %mul3A_16 : i32
    "tpu.region"() ({
      %run_scoped3A = tpu.sem_alloc : memref<!tpu.dma_semaphore, #tpu.memory_space<semaphore_mem>>
      %dma_start3A = arith.constant 0 : i32
      %dma_start3A_20 = tpu.memref_slice %arg10[%mul3A_17, %dma_start3A] : memref<10112x64xf32, #tpu.memory_space<vmem_shared>> -> memref<632x64xf32, #tpu.memory_space<vmem_shared>>
      %dma_start3A_21 = arith.constant 0 : i32
      %dma_start3A_22 = tpu.memref_slice %arg10[%mul3A_17, %dma_start3A_21] : memref<10112x64xf32, #tpu.memory_space<vmem_shared>> -> memref<632x64xf32, #tpu.memory_space<vmem_shared>>
      tpu.enqueue_dma source(%dma_start3A_22 : memref<632x64xf32, #tpu.memory_space<vmem_shared>>) target(%arg9 : memref<632x64xf32, #tpu.memory_space<vmem>>) target_semaphore(%run_scoped3A : memref<!tpu.dma_semaphore, #tpu.memory_space<semaphore_mem>>)
      %dma_wait3A = arith.constant 0 : i32
      %dma_wait3A_23 = tpu.memref_slice %arg10[%mul3A_17, %dma_wait3A] : memref<10112x64xf32, #tpu.memory_space<vmem_shared>> -> memref<632x64xf32, #tpu.memory_space<vmem_shared>>
      %dma_wait3A_24 = arith.constant 0 : i32
      %dma_wait3A_25 = tpu.memref_slice %arg10[%mul3A_17, %dma_wait3A_24] : memref<10112x64xf32, #tpu.memory_space<vmem_shared>> -> memref<632x64xf32, #tpu.memory_space<vmem_shared>>
      tpu.wait_dma2 semaphore(%run_scoped3A : memref<!tpu.dma_semaphore, #tpu.memory_space<semaphore_mem>>) src(%dma_wait3A_25 : memref<632x64xf32, #tpu.memory_space<vmem_shared>>) dst(%arg9 : memref<632x64xf32, #tpu.memory_space<vmem>>)
      tpu.yield
    }) : () -> ()
    %mul3A_18 = arith.constant 632 : i32
    %mul3A_19 = arith.muli %arg1, %mul3A_18 : i32
    "tpu.region"() ({
      %run_scoped3A = tpu.sem_alloc : memref<!tpu.dma_semaphore, #tpu.memory_space<semaphore_mem>>
      %dma_start3A = arith.constant 0 : i32
      %dma_start3A_20 = tpu.memref_slice %arg5[%arg0, %mul3A_19, %dma_start3A] : memref<2x10112x64xf32, #tpu.memory_space<hbm>> -> memref<1x632x64xf32, #tpu.memory_space<hbm>>
      %dma_start3A_21 = tpu.memref_squeeze %dma_start3A_20 : memref<1x632x64xf32, #tpu.memory_space<hbm>> -> memref<632x64xf32, #tpu.memory_space<hbm>>
      %dma_start3A_22 = arith.constant 0 : i32
      %dma_start3A_23 = tpu.memref_slice %arg5[%arg0, %mul3A_19, %dma_start3A_22] : memref<2x10112x64xf32, #tpu.memory_space<hbm>> -> memref<1x632x64xf32, #tpu.memory_space<hbm>>
      %dma_start3A_24 = tpu.memref_squeeze %dma_start3A_23 : memref<1x632x64xf32, #tpu.memory_space<hbm>> -> memref<632x64xf32, #tpu.memory_space<hbm>>
      tpu.enqueue_dma source(%arg9 : memref<632x64xf32, #tpu.memory_space<vmem>>) target(%dma_start3A_24 : memref<632x64xf32, #tpu.memory_space<hbm>>) target_semaphore(%run_scoped3A : memref<!tpu.dma_semaphore, #tpu.memory_space<semaphore_mem>>)
      %dma_wait3A = arith.constant 0 : i32
      %dma_wait3A_25 = tpu.memref_slice %arg5[%arg0, %mul3A_19, %dma_wait3A] : memref<2x10112x64xf32, #tpu.memory_space<hbm>> -> memref<1x632x64xf32, #tpu.memory_space<hbm>>
      %dma_wait3A_26 = tpu.memref_squeeze %dma_wait3A_25 : memref<1x632x64xf32, #tpu.memory_space<hbm>> -> memref<632x64xf32, #tpu.memory_space<hbm>>
      %dma_wait3A_27 = arith.constant 0 : i32
      %dma_wait3A_28 = tpu.memref_slice %arg5[%arg0, %mul3A_19, %dma_wait3A_27] : memref<2x10112x64xf32, #tpu.memory_space<hbm>> -> memref<1x632x64xf32, #tpu.memory_space<hbm>>
      %dma_wait3A_29 = tpu.memref_squeeze %dma_wait3A_28 : memref<1x632x64xf32, #tpu.memory_space<hbm>> -> memref<632x64xf32, #tpu.memory_space<hbm>>
      tpu.wait_dma2 semaphore(%run_scoped3A : memref<!tpu.dma_semaphore, #tpu.memory_space<semaphore_mem>>) src(%arg9 : memref<632x64xf32, #tpu.memory_space<vmem>>) dst(%dma_wait3A_29 : memref<632x64xf32, #tpu.memory_space<hbm>>)
      tpu.yield
    }) : () -> ()
    return
  }
}

module attributes {stable_mosaic.version = 14 : i64} {
  func.func @_tc1_body(%arg0: i32, %arg1: memref<2x1000x16xf32, #tpu.memory_space<vmem>>, %arg2: memref<1000x128xf32, #tpu.memory_space<vmem>>, %arg3: memref<128x128xf32, #tpu.memory_space<vmem>>, %arg4: memref<2x1000x64xf32, #tpu.memory_space<vmem>>) attributes {dimension_semantics = [#tpu.dimension_semantics<arbitrary>], iteration_bounds = array<i64: 10>, scalar_prefetch = 0 : i64, scratch_operands = 0 : i64, tpu.core_type = #tpu.core_type<tc>, window_params = [{transform_indices = @transform_0, window_bounds = array<i64: 2, 1000, 16>}, {transform_indices = @transform_1, window_bounds = array<i64: 1000, 128>}, {pipeline_mode = #tpu.pipeline_mode<synchronous>, transform_indices = @transform_2, window_bounds = array<i64: 128, 128>}, {transform_indices = @transform_3, window_bounds = array<i64: 2, 1000, 64>}]} {
    %get3A = arith.constant 0 : index
    %get3A_0 = arith.constant 0 : index
    %get3A_1 = arith.constant 0 : index
    %get3A_2 = vector.load %arg1[%get3A, %get3A_0, %get3A_1] : memref<2x1000x16xf32, #tpu.memory_space<vmem>>, vector<2x1000x16xf32>
    %slice3A = vector.extract_strided_slice %get3A_2 {offsets = [0, 0, 0], sizes = [1, 1000, 1], strides = [1, 1, 1]} : vector<2x1000x16xf32> to vector<1x1000x1xf32>
    %squeeze3A = vector.shape_cast %slice3A : vector<1x1000x1xf32> to vector<1000xf32>
    %add3A = arith.constant 1.000000e+00 : f32
    %add3A_3 = vector.broadcast %add3A : f32 to vector<1000xf32>
    %add3A_4 = arith.addf %add3A_3, %squeeze3A : vector<1000xf32>
    %slice3A_5 = vector.extract_strided_slice %get3A_2 {offsets = [1, 0, 0], sizes = [1, 1000, 1], strides = [1, 1, 1]} : vector<2x1000x16xf32> to vector<1x1000x1xf32>
    %squeeze3A_6 = vector.shape_cast %slice3A_5 : vector<1x1000x1xf32> to vector<1000xf32>
    %add3A_7 = arith.addf %add3A_4, %squeeze3A_6 : vector<1000xf32>
    %rsqrt3A = math.rsqrt %add3A_7 : vector<1000xf32>
    %get3A_8 = arith.constant 0 : index
    %get3A_9 = arith.constant 0 : index
    %get3A_10 = vector.load %arg2[%get3A_8, %get3A_9] : memref<1000x128xf32, #tpu.memory_space<vmem>>, vector<1000x128xf32>
    %get3A_11 = arith.constant 0 : index
    %get3A_12 = arith.constant 0 : index
    %get3A_13 = vector.load %arg3[%get3A_11, %get3A_12] : memref<128x128xf32, #tpu.memory_space<vmem>>, vector<128x128xf32>
    %dot_general3A = arith.constant dense<0.000000e+00> : vector<1000x128xf32>
    %dot_general3A_14 = tpu.matmul %get3A_10, %get3A_13, %dot_general3A {dimension_numbers = #tpu.dot_dimension_numbers<[1], [0], [0], [1], [0, 0, 1, 1], [], []>, transpose_lhs_hint = false} : vector<1000x128xf32>, vector<128x128xf32>, vector<1000x128xf32> -> vector<1000x128xf32>
    %broadcast_in_dim3A = vector.shape_cast %rsqrt3A : vector<1000xf32> to vector<1000x1xf32>
    %mul3A = vector.broadcast %broadcast_in_dim3A : vector<1000x1xf32> to vector<1000x128xf32>
    %mul3A_15 = arith.mulf %dot_general3A_14, %mul3A : vector<1000x128xf32>
    %slice3A_16 = vector.extract_strided_slice %mul3A_15 {offsets = [0, 0], sizes = [1000, 64], strides = [1, 1]} : vector<1000x128xf32> to vector<1000x64xf32>
    %swap3A = arith.constant 0 : index
    %swap3A_17 = arith.constant 0 : index
    %swap3A_18 = arith.constant 0 : index
    %swap3A_19 = vector.load %arg4[%swap3A, %swap3A_17, %swap3A_18] : memref<2x1000x64xf32, #tpu.memory_space<vmem>>, vector<1x1000x64xf32>
    %swap3A_20 = vector.shape_cast %swap3A_19 : vector<1x1000x64xf32> to vector<1000x64xf32>
    %swap3A_21 = vector.shape_cast %slice3A_16 : vector<1000x64xf32> to vector<1x1000x64xf32>
    tpu.vector_store %arg4[%swap3A, %swap3A_17, %swap3A_18], %swap3A_21 {strides = array<i32>} : memref<2x1000x64xf32, #tpu.memory_space<vmem>>, vector<1x1000x64xf32>,
    %slice3A_22 = vector.extract_strided_slice %mul3A_15 {offsets = [0, 64], sizes = [1000, 64], strides = [1, 1]} : vector<1000x128xf32> to vector<1000x64xf32>
    %swap3A_23 = arith.constant 1 : index
    %swap3A_24 = arith.constant 0 : index
    %swap3A_25 = arith.constant 0 : index
    %swap3A_26 = vector.load %arg4[%swap3A_23, %swap3A_24, %swap3A_25] : memref<2x1000x64xf32, #tpu.memory_space<vmem>>, vector<1x1000x64xf32>
    %swap3A_27 = vector.shape_cast %swap3A_26 : vector<1x1000x64xf32> to vector<1000x64xf32>
    %swap3A_28 = vector.shape_cast %slice3A_22 : vector<1000x64xf32> to vector<1x1000x64xf32>
    tpu.vector_store %arg4[%swap3A_23, %swap3A_24, %swap3A_25], %swap3A_28 {strides = array<i32>} : memref<2x1000x64xf32, #tpu.memory_space<vmem>>, vector<1x1000x64xf32>,
    return
  }
  func.func @transform_0(%arg0: i32) -> (i32, i32, i32) {
    %c0_i32 = arith.constant 0 : i32
    %c0_i32_0 = arith.constant 0 : i32
    %c0_i32_1 = arith.constant 0 : i32
    return %c0_i32, %arg0, %c0_i32_0 : i32, i32, i32
  }
  func.func @transform_1(%arg0: i32) -> (i32, i32) {
    %c0_i32 = arith.constant 0 : i32
    %c0_i32_0 = arith.constant 0 : i32
    return %arg0, %c0_i32 : i32, i32
  }
  func.func @transform_2(%arg0: i32) -> (i32, i32) {
    %c0_i32 = arith.constant 0 : i32
    %c0_i32_0 = arith.constant 0 : i32
    %c0_i32_1 = arith.constant 0 : i32
    return %c0_i32, %c0_i32_0 : i32, i32
  }
  func.func @transform_3(%arg0: i32) -> (i32, i32, i32) {
    %c0_i32 = arith.constant 0 : i32
    %c0_i32_0 = arith.constant 0 : i32
    %c0_i32_1 = arith.constant 0 : i32
    return %c0_i32, %arg0, %c0_i32_0 : i32, i32, i32
  }
}

module attributes {stable_mosaic.version = 14 : i64} {
  func.func @_tc2_body(%arg0: i32, %arg1: memref<2x1000x16xf32, #tpu.memory_space<vmem>>, %arg2: memref<2x1000x64xf32, #tpu.memory_space<vmem>>, %arg3: memref<2x1000x64xf32, #tpu.memory_space<vmem>>, %arg4: memref<128x128xf32, #tpu.memory_space<vmem>>, %arg5: memref<1x128xf32, #tpu.memory_space<vmem>>, %arg6: memref<2x1000x64xf32, #tpu.memory_space<vmem>>) attributes {dimension_semantics = [#tpu.dimension_semantics<arbitrary>], iteration_bounds = array<i64: 10>, scalar_prefetch = 0 : i64, scratch_operands = 0 : i64, tpu.core_type = #tpu.core_type<tc>, window_params = [{transform_indices = @transform_0, window_bounds = array<i64: 2, 1000, 16>}, {transform_indices = @transform_1, window_bounds = array<i64: 2, 1000, 64>}, {transform_indices = @transform_2, window_bounds = array<i64: 2, 1000, 64>}, {pipeline_mode = #tpu.pipeline_mode<synchronous>, transform_indices = @transform_3, window_bounds = array<i64: 128, 128>}, {pipeline_mode = #tpu.pipeline_mode<synchronous>, transform_indices = @transform_4, window_bounds = array<i64: 1, 128>}, {transform_indices = @transform_5, window_bounds = array<i64: 2, 1000, 64>}]} {
    %get3A = arith.constant 0 : index
    %get3A_0 = arith.constant 0 : index
    %get3A_1 = arith.constant 0 : index
    %get3A_2 = vector.load %arg1[%get3A, %get3A_0, %get3A_1] : memref<2x1000x16xf32, #tpu.memory_space<vmem>>, vector<2x1000x16xf32>
    %slice3A = vector.extract_strided_slice %get3A_2 {offsets = [0, 0, 0], sizes = [1, 1000, 1], strides = [1, 1, 1]} : vector<2x1000x16xf32> to vector<1x1000x1xf32>
    %squeeze3A = vector.shape_cast %slice3A : vector<1x1000x1xf32> to vector<1000xf32>
    %add3A = arith.constant 1.000000e+00 : f32
    %add3A_3 = vector.broadcast %add3A : f32 to vector<1000xf32>
    %add3A_4 = arith.addf %add3A_3, %squeeze3A : vector<1000xf32>
    %slice3A_5 = vector.extract_strided_slice %get3A_2 {offsets = [1, 0, 0], sizes = [1, 1000, 1], strides = [1, 1, 1]} : vector<2x1000x16xf32> to vector<1x1000x1xf32>
    %squeeze3A_6 = vector.shape_cast %slice3A_5 : vector<1x1000x1xf32> to vector<1000xf32>
    %add3A_7 = arith.addf %add3A_4, %squeeze3A_6 : vector<1000xf32>
    %rsqrt3A = math.rsqrt %add3A_7 : vector<1000xf32>
    %get3A_8 = arith.constant 0 : index
    %get3A_9 = arith.constant 0 : index
    %get3A_10 = arith.constant 0 : index
    %get3A_11 = vector.load %arg2[%get3A_8, %get3A_9, %get3A_10] : memref<2x1000x64xf32, #tpu.memory_space<vmem>>, vector<2x1000x64xf32>
    %get3A_12 = arith.constant 0 : index
    %get3A_13 = arith.constant 0 : index
    %get3A_14 = arith.constant 0 : index
    %get3A_15 = vector.load %arg3[%get3A_12, %get3A_13, %get3A_14] : memref<2x1000x64xf32, #tpu.memory_space<vmem>>, vector<2x1000x64xf32>
    %add3A_16 = arith.addf %get3A_11, %get3A_15 : vector<2x1000x64xf32>
    %slice3A_17 = vector.extract_strided_slice %add3A_16 {offsets = [0, 0, 0], sizes = [1, 1000, 64], strides = [1, 1, 1]} : vector<2x1000x64xf32> to vector<1x1000x64xf32>
    %squeeze3A_18 = vector.shape_cast %slice3A_17 : vector<1x1000x64xf32> to vector<1000x64xf32>
    %slice3A_19 = vector.extract_strided_slice %add3A_16 {offsets = [1, 0, 0], sizes = [1, 1000, 64], strides = [1, 1, 1]} : vector<2x1000x64xf32> to vector<1x1000x64xf32>
    %squeeze3A_20 = vector.shape_cast %slice3A_19 : vector<1x1000x64xf32> to vector<1000x64xf32>
    %concatenate3A = tpu.concatenate %squeeze3A_18, %squeeze3A_20 in 1 : vector<1000x64xf32>, vector<1000x64xf32> -> vector<1000x128xf32>
    %broadcast_in_dim3A = vector.shape_cast %rsqrt3A : vector<1000xf32> to vector<1000x1xf32>
    %mul3A = vector.broadcast %broadcast_in_dim3A : vector<1000x1xf32> to vector<1000x128xf32>
    %mul3A_21 = arith.mulf %concatenate3A, %mul3A : vector<1000x128xf32>
    %get3A_22 = arith.constant 0 : index
    %get3A_23 = arith.constant 0 : index
    %get3A_24 = vector.load %arg5[%get3A_22, %get3A_23] : memref<1x128xf32, #tpu.memory_space<vmem>>, vector<1x128xf32>
    %add3A_25 = vector.broadcast %get3A_24 : vector<1x128xf32> to vector<1000x128xf32>
    %add3A_26 = arith.addf %mul3A_21, %add3A_25 : vector<1000x128xf32>
    %max3A = arith.constant 0.000000e+00 : f32
    %max3A_27 = vector.broadcast %max3A : f32 to vector<1000x128xf32>
    %max3A_28 = arith.maximumf %add3A_26, %max3A_27 : vector<1000x128xf32>
    %get3A_29 = arith.constant 0 : index
    %get3A_30 = arith.constant 0 : index
    %get3A_31 = vector.load %arg4[%get3A_29, %get3A_30] : memref<128x128xf32, #tpu.memory_space<vmem>>, vector<128x128xf32>
    %dot_general3A = arith.constant dense<0.000000e+00> : vector<1000x128xf32>
    %dot_general3A_32 = tpu.matmul %max3A_28, %get3A_31, %dot_general3A {dimension_numbers = #tpu.dot_dimension_numbers<[1], [0], [0], [1], [0, 0, 1, 1], [], []>, transpose_lhs_hint = false} : vector<1000x128xf32>, vector<128x128xf32>, vector<1000x128xf32> -> vector<1000x128xf32>
    %broadcast_in_dim3A_33 = vector.shape_cast %rsqrt3A : vector<1000xf32> to vector<1000x1xf32>
    %mul3A_34 = vector.broadcast %broadcast_in_dim3A_33 : vector<1000x1xf32> to vector<1000x128xf32>
    %mul3A_35 = arith.mulf %dot_general3A_32, %mul3A_34 : vector<1000x128xf32>
    %slice3A_36 = vector.extract_strided_slice %mul3A_35 {offsets = [0, 0], sizes = [1000, 64], strides = [1, 1]} : vector<1000x128xf32> to vector<1000x64xf32>
    %swap3A = arith.constant 0 : index
    %swap3A_37 = arith.constant 0 : index
    %swap3A_38 = arith.constant 0 : index
    %swap3A_39 = vector.load %arg6[%swap3A, %swap3A_37, %swap3A_38] : memref<2x1000x64xf32, #tpu.memory_space<vmem>>, vector<1x1000x64xf32>
    %swap3A_40 = vector.shape_cast %swap3A_39 : vector<1x1000x64xf32> to vector<1000x64xf32>
    %swap3A_41 = vector.shape_cast %slice3A_36 : vector<1000x64xf32> to vector<1x1000x64xf32>
    tpu.vector_store %arg6[%swap3A, %swap3A_37, %swap3A_38], %swap3A_41 {strides = array<i32>} : memref<2x1000x64xf32, #tpu.memory_space<vmem>>, vector<1x1000x64xf32>,
    %slice3A_42 = vector.extract_strided_slice %mul3A_35 {offsets = [0, 64], sizes = [1000, 64], strides = [1, 1]} : vector<1000x128xf32> to vector<1000x64xf32>
    %swap3A_43 = arith.constant 1 : index
    %swap3A_44 = arith.constant 0 : index
    %swap3A_45 = arith.constant 0 : index
    %swap3A_46 = vector.load %arg6[%swap3A_43, %swap3A_44, %swap3A_45] : memref<2x1000x64xf32, #tpu.memory_space<vmem>>, vector<1x1000x64xf32>
    %swap3A_47 = vector.shape_cast %swap3A_46 : vector<1x1000x64xf32> to vector<1000x64xf32>
    %swap3A_48 = vector.shape_cast %slice3A_42 : vector<1000x64xf32> to vector<1x1000x64xf32>
    tpu.vector_store %arg6[%swap3A_43, %swap3A_44, %swap3A_45], %swap3A_48 {strides = array<i32>} : memref<2x1000x64xf32, #tpu.memory_space<vmem>>, vector<1x1000x64xf32>,
    return
  }
  func.func @transform_0(%arg0: i32) -> (i32, i32, i32) {
    %c0_i32 = arith.constant 0 : i32
    %c0_i32_0 = arith.constant 0 : i32
    %c0_i32_1 = arith.constant 0 : i32
    return %c0_i32, %arg0, %c0_i32_0 : i32, i32, i32
  }
  func.func @transform_1(%arg0: i32) -> (i32, i32, i32) {
    %c0_i32 = arith.constant 0 : i32
    %c0_i32_0 = arith.constant 0 : i32
    %c0_i32_1 = arith.constant 0 : i32
    return %c0_i32, %arg0, %c0_i32_0 : i32, i32, i32
  }
  func.func @transform_2(%arg0: i32) -> (i32, i32, i32) {
    %c0_i32 = arith.constant 0 : i32
    %c0_i32_0 = arith.constant 0 : i32
    %c0_i32_1 = arith.constant 0 : i32
    return %c0_i32, %arg0, %c0_i32_0 : i32, i32, i32
  }
  func.func @transform_3(%arg0: i32) -> (i32, i32) {
    %c0_i32 = arith.constant 0 : i32
    %c0_i32_0 = arith.constant 0 : i32
    %c0_i32_1 = arith.constant 0 : i32
    return %c0_i32, %c0_i32_0 : i32, i32
  }
  func.func @transform_4(%arg0: i32) -> (i32, i32) {
    %c0_i32 = arith.constant 0 : i32
    %c0_i32_0 = arith.constant 0 : i32
    %c0_i32_1 = arith.constant 0 : i32
    return %c0_i32, %c0_i32_0 : i32, i32
  }
  func.func @transform_5(%arg0: i32) -> (i32, i32, i32) {
    %c0_i32 = arith.constant 0 : i32
    %c0_i32_0 = arith.constant 0 : i32
    %c0_i32_1 = arith.constant 0 : i32
    return %c0_i32, %arg0, %c0_i32_0 : i32, i32, i32
  }
}

module attributes {stable_mosaic.version = 14 : i64} {
  func.func @_tc3_body(%arg0: i32, %arg1: memref<2x1000x16xf32, #tpu.memory_space<vmem>>, %arg2: memref<2x1000x64xf32, #tpu.memory_space<vmem>>, %arg3: memref<2x1000x64xf32, #tpu.memory_space<vmem>>, %arg4: memref<1x128xf32, #tpu.memory_space<vmem>>, %arg5: memref<128x128xf32, #tpu.memory_space<vmem>>, %arg6: memref<1x128xf32, #tpu.memory_space<vmem>>, %arg7: memref<8x128xf32, #tpu.memory_space<vmem>>, %arg8: memref<8x128xf32, #tpu.memory_space<vmem>>) attributes {dimension_semantics = [#tpu.dimension_semantics<arbitrary>], iteration_bounds = array<i64: 10>, scalar_prefetch = 0 : i64, scratch_operands = 1 : i64, tpu.core_type = #tpu.core_type<tc>, window_params = [{transform_indices = @transform_0, window_bounds = array<i64: 2, 1000, 16>}, {transform_indices = @transform_1, window_bounds = array<i64: 2, 1000, 64>}, {transform_indices = @transform_2, window_bounds = array<i64: 2, 1000, 64>}, {pipeline_mode = #tpu.pipeline_mode<synchronous>, transform_indices = @transform_3, window_bounds = array<i64: 1, 128>}, {pipeline_mode = #tpu.pipeline_mode<synchronous>, transform_indices = @transform_4, window_bounds = array<i64: 128, 128>}, {pipeline_mode = #tpu.pipeline_mode<synchronous>, transform_indices = @transform_5, window_bounds = array<i64: 1, 128>}, {pipeline_mode = #tpu.pipeline_mode<synchronous>, transform_indices = @transform_6, window_bounds = array<i64: 8, 128>}]} {
    %get3A = arith.constant 0 : index
    %get3A_0 = arith.constant 0 : index
    %get3A_1 = arith.constant 0 : index
    %get3A_2 = vector.load %arg1[%get3A, %get3A_0, %get3A_1] : memref<2x1000x16xf32, #tpu.memory_space<vmem>>, vector<2x1000x16xf32>
    %slice3A = vector.extract_strided_slice %get3A_2 {offsets = [0, 0, 0], sizes = [1, 1000, 1], strides = [1, 1, 1]} : vector<2x1000x16xf32> to vector<1x1000x1xf32>
    %squeeze3A = vector.shape_cast %slice3A : vector<1x1000x1xf32> to vector<1000xf32>
    %add3A = arith.constant 1.000000e+00 : f32
    %add3A_3 = vector.broadcast %add3A : f32 to vector<1000xf32>
    %add3A_4 = arith.addf %add3A_3, %squeeze3A : vector<1000xf32>
    %slice3A_5 = vector.extract_strided_slice %get3A_2 {offsets = [1, 0, 0], sizes = [1, 1000, 1], strides = [1, 1, 1]} : vector<2x1000x16xf32> to vector<1x1000x1xf32>
    %squeeze3A_6 = vector.shape_cast %slice3A_5 : vector<1x1000x1xf32> to vector<1000xf32>
    %add3A_7 = arith.addf %add3A_4, %squeeze3A_6 : vector<1000xf32>
    %rsqrt3A = math.rsqrt %add3A_7 : vector<1000xf32>
    %get3A_8 = arith.constant 0 : index
    %get3A_9 = arith.constant 0 : index
    %get3A_10 = arith.constant 0 : index
    %get3A_11 = vector.load %arg2[%get3A_8, %get3A_9, %get3A_10] : memref<2x1000x64xf32, #tpu.memory_space<vmem>>, vector<2x1000x64xf32>
    %get3A_12 = arith.constant 0 : index
    %get3A_13 = arith.constant 0 : index
    %get3A_14 = arith.constant 0 : index
    %get3A_15 = vector.load %arg3[%get3A_12, %get3A_13, %get3A_14] : memref<2x1000x64xf32, #tpu.memory_space<vmem>>, vector<2x1000x64xf32>
    %add3A_16 = arith.addf %get3A_11, %get3A_15 : vector<2x1000x64xf32>
    %slice3A_17 = vector.extract_strided_slice %add3A_16 {offsets = [0, 0, 0], sizes = [1, 1000, 64], strides = [1, 1, 1]} : vector<2x1000x64xf32> to vector<1x1000x64xf32>
    %squeeze3A_18 = vector.shape_cast %slice3A_17 : vector<1x1000x64xf32> to vector<1000x64xf32>
    %slice3A_19 = vector.extract_strided_slice %add3A_16 {offsets = [1, 0, 0], sizes = [1, 1000, 64], strides = [1, 1, 1]} : vector<2x1000x64xf32> to vector<1x1000x64xf32>
    %squeeze3A_20 = vector.shape_cast %slice3A_19 : vector<1x1000x64xf32> to vector<1000x64xf32>
    %concatenate3A = tpu.concatenate %squeeze3A_18, %squeeze3A_20 in 1 : vector<1000x64xf32>, vector<1000x64xf32> -> vector<1000x128xf32>
    %broadcast_in_dim3A = vector.shape_cast %rsqrt3A : vector<1000xf32> to vector<1000x1xf32>
    %mul3A = vector.broadcast %broadcast_in_dim3A : vector<1000x1xf32> to vector<1000x128xf32>
    %mul3A_21 = arith.mulf %concatenate3A, %mul3A : vector<1000x128xf32>
    %get3A_22 = arith.constant 0 : index
    %get3A_23 = arith.constant 0 : index
    %get3A_24 = vector.load %arg4[%get3A_22, %get3A_23] : memref<1x128xf32, #tpu.memory_space<vmem>>, vector<1x128xf32>
    %add3A_25 = vector.broadcast %get3A_24 : vector<1x128xf32> to vector<1000x128xf32>
    %add3A_26 = arith.addf %mul3A_21, %add3A_25 : vector<1000x128xf32>
    %max3A = arith.constant 0.000000e+00 : f32
    %max3A_27 = vector.broadcast %max3A : f32 to vector<1000x128xf32>
    %max3A_28 = arith.maximumf %add3A_26, %max3A_27 : vector<1000x128xf32>
    %reduce_sum3A = arith.constant dense<0.000000e+00> : vector<128xf32>
    %reduce_sum3A_29 = vector.multi_reduction <add>, %max3A_28, %reduce_sum3A [0] : vector<1000x128xf32> to vector<128xf32>
    %broadcast_in_dim3A_30 = vector.shape_cast %reduce_sum3A_29 : vector<128xf32> to vector<1x128xf32>
    %eq3A = arith.constant 0 : i32
    %eq3A_31 = arith.cmpi eq, %arg0, %eq3A : i32
    %convert_element_type3A = arith.extui %eq3A_31 : i1 to i32
    %cond3A = arith.constant 0 : i32
    %cond3A_32 = arith.cmpi ne, %convert_element_type3A, %cond3A : i32
    scf.if %cond3A_32 {
      %broadcast_in_dim3A_44 = arith.constant 0.000000e+00 : f32
      %broadcast_in_dim3A_45 = vector.broadcast %broadcast_in_dim3A_44 : f32 to vector<8x128xf32>
      %swap3A_46 = arith.constant 0 : index
      %swap3A_47 = arith.constant 0 : index
      %swap3A_48 = vector.load %arg8[%swap3A_46, %swap3A_47] : memref<8x128xf32, #tpu.memory_space<vmem>>, vector<8x128xf32>
      tpu.vector_store %arg8[%swap3A_46, %swap3A_47], %broadcast_in_dim3A_45 {strides = array<i32>} : memref<8x128xf32, #tpu.memory_space<vmem>>, vector<8x128xf32>,
    } else {
    }
    %get3A_33 = arith.constant 0 : index
    %get3A_34 = arith.constant 0 : index
    %get3A_35 = vector.load %arg8[%get3A_33, %get3A_34] : memref<8x128xf32, #tpu.memory_space<vmem>>, vector<1x128xf32>
    %add3A_36 = arith.addf %get3A_35, %broadcast_in_dim3A_30 : vector<1x128xf32>
    %swap3A = arith.constant 0 : index
    %swap3A_37 = arith.constant 0 : index
    %swap3A_38 = vector.load %arg8[%swap3A, %swap3A_37] : memref<8x128xf32, #tpu.memory_space<vmem>>, vector<1x128xf32>
    tpu.vector_store %arg8[%swap3A, %swap3A_37], %add3A_36 {strides = array<i32>} : memref<8x128xf32, #tpu.memory_space<vmem>>, vector<1x128xf32>,
    %eq3A_39 = arith.constant 9 : i32
    %eq3A_40 = arith.cmpi eq, %arg0, %eq3A_39 : i32
    %convert_element_type3A_41 = arith.extui %eq3A_40 : i1 to i32
    %cond3A_42 = arith.constant 0 : i32
    %cond3A_43 = arith.cmpi ne, %convert_element_type3A_41, %cond3A_42 : i32
    scf.if %cond3A_43 {
      %get3A_44 = arith.constant 0 : index
      %get3A_45 = arith.constant 0 : index
      %get3A_46 = vector.load %arg8[%get3A_44, %get3A_45] : memref<8x128xf32, #tpu.memory_space<vmem>>, vector<1x128xf32>
      %mul3A_47 = arith.constant 9.99999974E-5 : f32
      %mul3A_48 = vector.broadcast %mul3A_47 : f32 to vector<1x128xf32>
      %mul3A_49 = arith.mulf %get3A_46, %mul3A_48 : vector<1x128xf32>
      %get3A_50 = arith.constant 0 : index
      %get3A_51 = arith.constant 0 : index
      %get3A_52 = vector.load %arg5[%get3A_50, %get3A_51] : memref<128x128xf32, #tpu.memory_space<vmem>>, vector<128x128xf32>
      %dot_general3A = arith.constant dense<0.000000e+00> : vector<1x128xf32>
      %dot_general3A_53 = tpu.matmul %mul3A_49, %get3A_52, %dot_general3A {dimension_numbers = #tpu.dot_dimension_numbers<[1], [0], [0], [1], [0, 0, 1, 1], [], []>, transpose_lhs_hint = false} : vector<1x128xf32>, vector<128x128xf32>, vector<1x128xf32> -> vector<1x128xf32>
      %get3A_54 = arith.constant 0 : index
      %get3A_55 = arith.constant 0 : index
      %get3A_56 = vector.load %arg6[%get3A_54, %get3A_55] : memref<1x128xf32, #tpu.memory_space<vmem>>, vector<1x128xf32>
      %add3A_57 = arith.addf %dot_general3A_53, %get3A_56 : vector<1x128xf32>
      %broadcast_in_dim3A_58 = vector.shape_cast %add3A_57 : vector<1x128xf32> to vector<1x128xf32>
      %broadcast_in_dim3A_59 = vector.broadcast %broadcast_in_dim3A_58 : vector<1x128xf32> to vector<8x128xf32>
      %swap3A_60 = arith.constant 0 : index
      %swap3A_61 = arith.constant 0 : index
      %swap3A_62 = vector.load %arg7[%swap3A_60, %swap3A_61] : memref<8x128xf32, #tpu.memory_space<vmem>>, vector<8x128xf32>
      tpu.vector_store %arg7[%swap3A_60, %swap3A_61], %broadcast_in_dim3A_59 {strides = array<i32>} : memref<8x128xf32, #tpu.memory_space<vmem>>, vector<8x128xf32>,
    } else {
    }
    return
  }
  func.func @transform_0(%arg0: i32) -> (i32, i32, i32) {
    %c0_i32 = arith.constant 0 : i32
    %c0_i32_0 = arith.constant 0 : i32
    %c0_i32_1 = arith.constant 0 : i32
    return %c0_i32, %arg0, %c0_i32_0 : i32, i32, i32
  }
  func.func @transform_1(%arg0: i32) -> (i32, i32, i32) {
    %c0_i32 = arith.constant 0 : i32
    %c0_i32_0 = arith.constant 0 : i32
    %c0_i32_1 = arith.constant 0 : i32
    return %c0_i32, %arg0, %c0_i32_0 : i32, i32, i32
  }
  func.func @transform_2(%arg0: i32) -> (i32, i32, i32) {
    %c0_i32 = arith.constant 0 : i32
    %c0_i32_0 = arith.constant 0 : i32
    %c0_i32_1 = arith.constant 0 : i32
    return %c0_i32, %arg0, %c0_i32_0 : i32, i32, i32
  }
  func.func @transform_3(%arg0: i32) -> (i32, i32) {
    %c0_i32 = arith.constant 0 : i32
    %c0_i32_0 = arith.constant 0 : i32
    %c0_i32_1 = arith.constant 0 : i32
    return %c0_i32, %c0_i32_0 : i32, i32
  }
  func.func @transform_4(%arg0: i32) -> (i32, i32) {
    %c0_i32 = arith.constant 0 : i32
    %c0_i32_0 = arith.constant 0 : i32
    %c0_i32_1 = arith.constant 0 : i32
    return %c0_i32, %c0_i32_0 : i32, i32
  }
  func.func @transform_5(%arg0: i32) -> (i32, i32) {
    %c0_i32 = arith.constant 0 : i32
    %c0_i32_0 = arith.constant 0 : i32
    %c0_i32_1 = arith.constant 0 : i32
    return %c0_i32, %c0_i32_0 : i32, i32
  }
  func.func @transform_6(%arg0: i32) -> (i32, i32) {
    %c0_i32 = arith.constant 0 : i32
    %c0_i32_0 = arith.constant 0 : i32
    %c0_i32_1 = arith.constant 0 : i32
    return %c0_i32, %c0_i32_0 : i32, i32
  }
}

</mosaic_0001>

<sc_bundles>
// kernel: kernel.11.cloned.1.call-start
scs
__scs_entry_jumppad:
0x0: {  	(pc) =	sbr.rel $0x88, $3  }
0x1: {  	(tag) =	ssettag $0x0;
	lr =	simm.s32 $0x1  }
0x2: {  	[smem:$0x3F99] =	sst lr;
	_ =	strace $0xD0000000  }
0x3: {  	_ = 	snop  }
0x4: {  	_ = 	snop  }
0x5: {  	_ = 	snop  }
0x6: {  	_ = 	snop  }
0x7: {  	_ = 	snop  }
__scs_overlays_trampoline_lowered:
0x8: {  	[smem:$0x3FA8] =	sst s0  }
0x9: {  	[smem:$0x3FA9] =	sst s1  }
0xa: {  	[smem:$0x3FAA] =	sst s2  }
0xb: {  	[smem:$0x3FAB] =	sst s3  }
0xc: {  	[smem:$0x3FAC] =	sst s4  }
0xd: {  	[smem:$0x3FAD] =	sst s5  }
0xe: {  	[smem:$0x3FAE] =	sst s6  }
0xf: {  	[smem:$0x3FAF] =	sst s7  }
0x10: {  	[smem:$0x3FB0] =	sst s8  }
0x11: {  	[smem:$0x3FB1] =	sst s9;
	s0 =	simm.s32 @!p0 $0x0  }
0x12: {  	s1 =	sld [smem:$0x3F97];
	s0 =	simm.s32 @p0 $0x1  }
0x13: {  	[smem:$0x3FB2] =	sst s0;
	s0 =	simm.s32 @!p1 $0x0  }
0x14: {  	s2 =	sld [smem:$0x3F96];
	s0 =	simm.s32 @p1 $0x1  }
0x15: {  	[smem:$0x3FB3] =	sst s0;
	s0 =	simm.s32 @!p2 $0x0  }
0x16: {  	s3 =	sld [smem:$0x3FDB];
	s0 =	simm.s32 @p2 $0x1  }
0x17: {  	s4 =	simm.s32 $0x1BF5;
	[smem:$0x3FB5] =	sst s0  }
0x18: {  	s0 =	sld [smem:$0x3F98];
	_ =	swait.ge [sflag:s4], $0x0  }
0x19: {  	s7 =	sld [smem:$0x3F99]  }
0x1a: {  	s8 =	sadd.s32 $0xFFFFE003, lr  }
0x1b: {  	s9 =	sadd.s32 $0xFFFFFEF7, lr;
	s5 =	simm.s32 $0xFFFFFFFF;
	p2 =	slt.u32 s8, $0xFFFFF086  }
0x1c: {  	p1 =	slt.u32 s9, $0xF7A;
	s5 =	simm.s32 @!p2 $0x0  }
0x1d: {  	s5 =	simm.s32 @p1 $0x1;
	p0 =	seq.s32 s7, s2  }
0x1e: {  	s7 =	smul.u32 @!p0 $0xF7A, s2;
	p2 =	seq.s32 @!p0 s5, $0x0  }
0x1f: {  	s9 =	smul.u32 $0xF7A, s1;
	s8 =	simm.s32 @!p0 $0x1BF5;
	p2 =	por !p2, p0  }
0x20: {  	[sflag:s8] =	ssyncset.s32 @!p0 $0xFFFFF086;
	s6 =	sadd.s32 @!p0 s3, s7;
	s7 =	simm.s32 @!p0 $0x108  }
0x21: {  	s3 =	sadd.s32 s3, s9;
	s6 =	sadd.s32 @!p0 $0x88, s6;
	s7 =	simm.s32 @p2 $0x1082  }
0x22: {  	[simem:s7], [sflag:s8] =	dma.local @!p0 [hbm:s6], $0xF7A  }
0x23: {  	s9 =	sor.u32 $0xD0000000, s2;
	s6 =	simm.s32 $0x108;
	_ =	swait.ge @!p0 [sflag:s8], $0x0  }
0x24: {  	s3 =	sadd.s32 $0x88, s3;
	s6 =	simm.s32 @!p1 $0x1082;
	[sflag:s4] =	ssyncset.s32 $0xFFFFF086  }
0x25: {  	[simem:s6], [sflag:s4] =	dma.local [hbm:s3], $0xF7A  }
0x26: {  	[smem:$0x3F99] =	sst s1;
	(tag) =	ssettag s2;
	_ =	strace s9  }
0x27: {  	s1 =	sld [smem:$0x3FA9]  }
0x28: {  	s2 =	sld [smem:$0x3FAA]  }
0x29: {  	s4 =	sld [smem:$0x3FAC]  }
0x2a: {  	p0 =	seq.s32 s5, $0x0;
	s5 =	sld [smem:$0x3FAD]  }
0x2b: {  	s6 =	sld [smem:$0x3FAE]  }
0x2c: {  	s7 =	sld [smem:$0x3FAF]  }
0x2d: {  	s3 =	simm.s32 $0x108;
	s8 =	sld [smem:$0x3FB0]  }
0x2e: {  	s3 =	simm.s32 @!p0 $0x1082;
	s9 =	sld [smem:$0x3FB1]  }
0x2f: {  	lr =	sadd.s32 s0, s3;
	s0 =	sld [smem:$0x3FA8]  }
0x30: {  	s3 =	sld [smem:$0x3FAB]  }
0x31: {  	[smem:$0x3FB4] =	sst s10  }
0x32: {  	s10 =	sld [smem:$0x3FB2];
	_ =	sdelay $0x3  }
0x33: {  	p0 =	seq.s32 s10, $0x1;
	s10 =	sld [smem:$0x3FB4];
	_ =	sdelay $0x3  }
0x34: {  	[smem:$0x3FB4] =	sst s10  }
0x35: {  	s10 =	sld [smem:$0x3FB3];
	_ =	sdelay $0x3  }
0x36: {  	p1 =	seq.s32 s10, $0x1;
	s10 =	sld [smem:$0x3FB4];
	_ =	sdelay $0x3  }
0x37: {  	[smem:$0x3FB4] =	sst s10  }
0x38: {  	s10 =	sld [smem:$0x3FB5]  }
0x39: {  	_ = 	snop;
	(pc) =	sbr.ind lr, $3  }
0x3a: {  	_ = 	snop  }
0x3b: {  	_ = 	snop  }
0x3c: {  	p2 =	seq.s32 s10, $0x1;
	s10 =	sld [smem:$0x3FB4]  }
0x3d: {  	_ =	shalt  }
0x3e: {  	_ =	shalt  }
0x3f: {  	_ =	shalt  }
0x40: {  	_ =	shalt  }
0x41: {  	_ =	shalt  }
0x42: {  	_ =	shalt  }
0x43: {  	_ =	shalt  }
0x44: {  	_ =	shalt  }
0x45: {  	_ =	shalt  }
0x46: {  	_ =	shalt  }
0x47: {  	_ =	shalt  }
0x48: {  	_ =	shalt  }
0x49: {  	_ =	shalt  }
0x4a: {  	_ =	shalt  }
0x4b: {  	_ =	shalt  }
0x4c: {  	_ =	shalt  }
0x4d: {  	_ =	shalt  }
0x4e: {  	_ =	shalt  }
0x4f: {  	_ =	shalt  }
0x50: {  	_ =	shalt  }
0x51: {  	_ =	shalt  }
0x52: {  	_ =	shalt  }
0x53: {  	_ =	shalt  }
0x54: {  	_ =	shalt  }
0x55: {  	_ =	shalt  }
0x56: {  	_ =	shalt  }
0x57: {  	_ =	shalt  }
0x58: {  	_ =	shalt  }
0x59: {  	_ =	shalt  }
0x5a: {  	_ =	shalt  }
0x5b: {  	_ =	shalt  }
0x5c: {  	_ =	shalt  }
0x5d: {  	_ =	shalt  }
0x5e: {  	_ =	shalt  }
0x5f: {  	_ =	shalt  }
0x60: {  	_ =	shalt  }
0x61: {  	_ =	shalt  }
0x62: {  	_ =	shalt  }
0x63: {  	_ =	shalt  }
0x64: {  	_ =	shalt  }
0x65: {  	_ =	shalt  }
0x66: {  	_ =	shalt  }
0x67: {  	_ =	shalt  }
0x68: {  	_ =	shalt  }
0x69: {  	_ =	shalt  }
0x6a: {  	_ =	shalt  }
0x6b: {  	_ =	shalt  }
0x6c: {  	_ =	shalt  }
0x6d: {  	_ =	shalt  }
0x6e: {  	_ =	shalt  }
0x6f: {  	_ =	shalt  }
0x70: {  	_ =	shalt  }
0x71: {  	_ =	shalt  }
0x72: {  	_ =	shalt  }
0x73: {  	_ =	shalt  }
0x74: {  	_ =	shalt  }
0x75: {  	_ =	shalt  }
0x76: {  	_ =	shalt  }
0x77: {  	_ =	shalt  }
0x78: {  	_ =	shalt  }
0x79: {  	_ =	shalt  }
0x7a: {  	_ =	shalt  }
0x7b: {  	_ =	shalt  }
0x7c: {  	_ =	shalt  }
0x7d: {  	_ =	shalt  }
0x7e: {  	_ =	shalt  }
0x7f: {  	_ =	shalt  }
0x80: {  	_ =	shalt  }
0x81: {  	_ =	shalt  }
0x82: {  	_ =	shalt  }
0x83: {  	_ =	shalt  }
0x84: {  	_ =	shalt  }
0x85: {  	_ =	shalt  }
0x86: {  	_ =	shalt  }
0x87: {  	_ =	shalt  }
.Lfunc_end0:
.L_simem_size_0:
called_computation.1_lowered:
.L_overlay_start_0:
0x88: {  	s2 =	sld [smem:$0x3FD9]  }
0x89: {  	s3 =	sld [smem:$0x3FFE];
	_ =	sdelay $0x1  }
0x8a: {  	s1 =	srdreg.scid  }
0x8b: {  	s0 =	sand.u32 $0x1, s1  }
0x8c: {  	s16 =	sshll.u32 s0, $0xA;
	s2 =	sadd.s32 s3, s2  }
0x8d: {  	s2 =	sadd.s32 s2, s16  }
0x8e: {  	[smem:$0x3FC0] =	sst s2  }
0x8f: {  	_ = 	snop  }
0x90: {  	(tm) =	ssettm $0x1  }
0x91: {  	s17 =	sld [smem:$0x3FFB];
	_ =	sdelay $0x3  }
0x92: {  	_ =	strace s17  }
0x93: {  	s2 =	sld [smem:$0x3FFC];
	_ =	sdelay $0x3  }
0x94: {  	_ =	strace s2  }
0x95: {  	s2 =	sld [smem:$0x3FFD];
	_ =	sdelay $0x3  }
0x96: {  	_ =	strace s2  }
0x97: {  	_ =	strace $0x8FFFFFFF  }
0x98: {  	s18 =	sld [smem:$0x3FDB];
	_ =	sdelay $0x1  }
0x99: {  	s19 =	simm.s32 $_scs_section_size  }
0x9a: {  	s4 =	simm.s32 $_size__tile_overlayer_lowered;
	s5 =	simm.s32 $_tile_overlayer_lowered  }
0x9b: {  	s22 =	simm.s32 $0x1BFF;
	s21 =	sshll.u32 s5, $0x1;
	s2 =	sadd.s32 s19, s18  }
0x9c: {  	s6 =	simm.s32 $0x0;
	s20 =	sshll.u32 s4, $0x1;
	s4 =	sadd.s32 s21, s2  }
0x9d: {  	[timem:s6], [sflag:s22] =	dma.local [hbm:s4], s20  }
0x9e: {  	_ =	swait.ge [sflag:s22], s20  }
0x9f: {  	s3 =	ssub.s32 $0x0, s20;
	[sflag:s22] =	ssyncset.done $0x0  }
0xa0: {  	[sflag:s22] =	ssyncadd.s32 s3;
	_ =	sdelay $0x1  }
0xa1: {  	s23 =	simm.s32 $0x1B8B  }
0xa2: {  	_ =	swait.ge [sflag:s23], $0x1  }
0xa3: {  	[sflag:s23] =	ssyncset.done $0x0  }
0xa4: {  	s25 =	simm.s32 $0x1B8E;
	s24 =	sld [smem:$0x3FFE];
	[sflag:s23] =	ssyncadd.s32 $0xFFFFFFFF  }
0xa5: {  	s26 =	simm.s32 $execute0_lowered;
	[smem:$0x3FD2] =	sst s25  }
0xa6: {  	s4 =	sshll.u32 s26, $0x1;
	_ =	strace $0x80000049;
	[dreg:$0x1] =	wrdreg $0xFFFFFFFF  }
0xa7: {  	s28 =	simm.s32 $_size_execute0_lowered;
	s2 =	sadd.s32 s2, s4;
	[dreg:$0x0] =	wrdreg $0x0  }
0xa8: {  	s4 =	sshll.u32 s28, $0x1;
	[dreg:$0x2] =	wrdreg s2  }
0xa9: {  	[dreg:$0x3] =	wrdreg s4  }
0xaa: {  	[dreg:$0x4] =	wrdreg $0xC0  }
0xab: {  	_ =	task [dreg:s6], $0x5FFFF  }
0xac: {  	[dreg:$0x1] =	wrdreg $0xFFFFFFFF  }
0xad: {  	[dreg:$0x0] =	wrdreg $0x60  }
0xae: {  	[dreg:$0x2] =	wrdreg s24  }
0xaf: {  	[dreg:$0x3] =	wrdreg $0x15B000  }
0xb0: {  	[dreg:$0x4] =	wrdreg $0x9  }
0xb1: {  	_ =	task.clear_ibuf [dreg:s6], $0x5FFFF;
	_ =	strace $0x90000049  }
0xb2: {  	s29 =	simm.s32 $0x9;
	_ =	strace $0x8000004B  }
0xb3: {  	_ =	swait.ge [sflag:s29], $0x1  }
0xb4: {  	[sflag:s29] =	ssyncadd.s32 $0xFFFFFFFF  }
0xb5: {  	_ =	strace $0x9000004B  }
0xb6: {  	_ =	sfence  }
0xb7: {  	s30 =	sld [smem:$0x0];
	_ =	sdelay $0x2  }
0xb8: {  	s31 =	sshll.u32 s1, $0xD;
	s1 =	sshrl.u32 s1, $0x2  }
0xb9: {  	s3 =	sand.u32 $0x4000, s31;
	s1 =	sadd.s32 s1, s30  }
0xba: {  	s0 =	sor.u32 s3, s0;
	s1 =	sshll.u32 s1, $0x11  }
0xbb: {  	s0 =	sor.u32 s1, s0  }
0xbc: {  	s0 =	sadd.s32 $0x8F2B, s0  }
0xbd: {  	[sflag:s0] =	ssyncadd.remote.s32 $0x1  }
0xbe: {  	_ =	sfence.sel $0xFFFF  }
0xbf: {  	[dreg:$0x0] =	wrdreg $0xFFFFFFFF;
	(pc) =	sbr.abs _section_cstart, $3  }
0xc0: {  	[dreg:$0x1] =	wrdreg $0xFFFFFFFF  }
0xc1: {  	_ =	task.clear_ibuf [dreg:s6], $0x2FFFF;
	_ =	strace $0x9FFFFFFF  }
0xc2: {  	(tm) =	ssettm $0x7FFFFFFF  }
0xc3: {  	_ =	shalt  }
tec
execute0_lowered:
.L_overlay_start_1:
0x0: {  	(tag) =	ssettag $0x1  }
0x1: {  	s4 =	rddreg [dreg:$0x0];
	s0 =	srdreg.scid  }
0x2: {  	s2 =	rddreg [dreg:$0x1];
	s1 =	stileid.u32  }
0x3: {  	s3 =	simm.s32 $0x0;
	s12 =	simm.s32 $0x4E80;
	s13 =	simm.s32 $0x80  }
0x4: {  	s14 =	simm.s32 $0x9D00;
	s15 =	simm.s32 $0x1;
	s7 =	smul.u32 $0x9E00, s1  }
0x5: {  	s5 =	sand.u32 $0x1, s0;
	s0 =	rddreg [dreg:$0x2];
	s9 =	smul.u32 $0x9D0, s1  }
0x6: {  	s16 =	simm.s32 $0x0;
	[smem:$0x7FF] =	sst s3;
	s8 =	smul.u32 $0x9E000, s5  }
0x7: {  	s6 =	smul.u32 $0x13880, s5;
	_ =	strace $0x8000004A;
	s5 =	ssub.s32 $0x2, s5  }
0x8: {  	s30 =	sadd.s32 s9, s4;
	s31 =	sshrl.u32 s5, $0x1;
	s29 =	sadd.s32 s7, s8  }
0x9: {  	s10 =	sadd.s32 s6, s4;
	s9 =	ssub.s32 s5, s31;
	s6 =	sshrl.u32 s29, $0x3  }
0xa: {  	s5 =	sadd.s32 $0x1F800, s30;
	s9 =	smax.u32 s9, $0x1;
	s11 =	sadd.s32 s6, s4  }
0xb: {  	s4 =	sadd.s32 s7, s2;
	s6 =	sadd.s32 $0x15A00, s30;
	s7 =	sadd.s32 $0x78600, s10  }
0xc: {  	v0 =	vimm.f32 $0.0e+00;
	s10 =	simm.s32 $0xBD00;
	s8 =	sadd.s32 $0x9F800, s11;
	s11 =	simm.s32 $0x2  }
.LBB2_1:
0xd: {  	s18 =	simm.s32 $0x100;
	s17 =	simm.s32 $0x0  }
.LBB2_2:
0xe: {  	p0 =	sne.s32 s18, $0x27700;
	[tilespmem:s17+$0xBD30] =	vst v0;
	s19 =	smov.u32 s18;
	s18 =	sadd.s32 $0x100, s18  }
.Ltmp0:
0xf: {  	[tilespmem:s17+$0xBD20] =	vst v0;
	(pc) =	sbr.rel @p0 .LBB2_2-.Ltmp0, $3  }
0x10: {  	[tilespmem:s17+$0xBD00] =	vst v0  }
0x11: {  	[tilespmem:s17+$0xBD10] =	vst v0;
	_ =	sdelay $0x1  }
0x12: {  	s17 =	sshra.s32 s19, $0x2  }
0x13: {  	[tilespmem:s17+$0xBD30] =	vst v0  }
0x14: {  	[tilespmem:s17+$0xBD20] =	vst v0  }
0x15: {  	[tilespmem:s17+$0xBD00] =	vst v0  }
0x16: {  	[tilespmem:s17+$0xBD10] =	vst v0  }
0x17: {  	[spmem:s4] =	stream.linear.scatter [tilespmem:s10], [sflag:$0x2], $0x9E00, $0x38;
	[tilespmem:$0x1F900] =	vst v63  }
0x18: {  	_ =	swait.ge [sflag:s11], $0x9E00  }
0x19: {  	[sflag:s11] =	ssyncset.done $0x0  }
0x1a: {  	[sflag:s11] =	ssyncadd.s32 $0xFFFF6200  }
0x1b: {  	s29 =	simm.s32 $0x0;
	[bflag:$0x0] =	sbarrier.arrive $0xFFFF  }
0x1c: {  	[tilespmem:s29], [sflag:$0x2] =	stream.linear.gather [hbm4b:s5+s29], $0x4E80, $0x38;
	[tilespmem:$0x1F900] =	vst v63  }
0x1d: {  	_ =	swait.ge [sflag:s11], $0x4E80  }
0x1e: {  	[sflag:s11] =	ssyncset.done $0x0  }
0x1f: {  	[sflag:s11] =	ssyncadd.s32 $0xFFFFB180  }
0x20: {  	[tilespmem:s12], [sflag:$0x2] =	stream.linear.gather [hbm4b:s6+s29], $0x4E80, $0x38;
	[tilespmem:$0x1F900] =	vst v63  }
0x21: {  	_ =	swait.ge [sflag:s11], $0x4E80  }
0x22: {  	[sflag:s11] =	ssyncset.done $0x0  }
0x23: {  	s30 =	simm.s32 $0x0;
	[sflag:s11] =	ssyncadd.s32 $0xFFFFB180  }
0x24: {  	[tilespmem:s14], [sflag:$0x1] =	stream.indirect.gather [hbm4b:s7+s13], $0x40, s30, s13, $0xb8;
	[tilespmem:$0x1F900] =	vst v63  }
0x25: {  	_ =	swait.ge [sflag:s15], $0x2000  }
0x26: {  	[sflag:s15] =	ssyncset.done $0x0  }
0x27: {  	s31 =	simm.s32 $0x4E80;
	[sflag:s15] =	ssyncadd.s32 $0xFFFFE000  }
0x28: {  	[spmem:s2] =	stream.indirect.scatter.add.f32 [tilespmem:s14], [sflag:$0x2], $0x40, s31, s13, $0xb8;
	[tilespmem:$0x1F900] =	vst v63  }
0x29: {  	_ =	swait.ge [sflag:s11], $0x2000  }
0x2a: {  	s17 =	simm.s32 $0x200;
	s18 =	simm.s32 $0x400;
	[sflag:s11] =	ssyncset.done $0x0  }
.LBB2_4:
0x2b: {  	s19 =	sshra.s32 s17, $0x2  }
0x2c: {  	[sflag:s11] =	ssyncadd.s32 $0xFFFFE000;
	s17 =	smov.u32 s18;
	s20 =	sadd.s32 $0x200, s18  }
0x2d: {  	[tilespmem:s14], [sflag:$0x1] =	stream.indirect.gather [hbm4b:s7+s13], $0x40, s19, s13, $0xb8;
	[tilespmem:$0x1F900] =	vst v63  }
0x2e: {  	p0 =	sne.s32 s18, $0x13800;
	_ =	swait.ge [sflag:s15], $0x2000  }
.Ltmp1:
0x2f: {  	[sflag:s15] =	ssyncset.done $0x0;
	(pc) =	sbr.rel @p0 .LBB2_4-.Ltmp1, $4  }
0x30: {  	s18 =	sadd.s32 $0x4E80, s19;
	[sflag:s15] =	ssyncadd.s32 $0xFFFFE000  }
0x31: {  	[spmem:s2] =	stream.indirect.scatter.add.f32 [tilespmem:s14], [sflag:$0x2], $0x40, s18, s13, $0xb8;
	[tilespmem:$0x1F900] =	vst v63  }
0x32: {  	_ =	swait.ge [sflag:s11], $0x2000  }
0x33: {  	s18 =	smov.u32 s20;
	[sflag:s11] =	ssyncset.done $0x0  }
0x34: {  	s17 =	sshra.s32 s17, $0x2;
	[sflag:s11] =	ssyncadd.s32 $0xFFFFE000  }
0x35: {  	[tilespmem:s14], [sflag:$0x1] =	stream.indirect.gather [hbm4b:s7+s13], $0x40, s17, s13, $0xb8;
	[tilespmem:$0x1F900] =	vst v63  }
0x36: {  	_ =	swait.ge [sflag:s15], $0x2000  }
0x37: {  	[sflag:s15] =	ssyncset.done $0x0  }
0x38: {  	s17 =	sadd.s32 $0x4E80, s17;
	[sflag:s15] =	ssyncadd.s32 $0xFFFFE000  }
0x39: {  	[spmem:s2] =	stream.indirect.scatter.add.f32 [tilespmem:s14], [sflag:$0x2], $0x40, s17, s13, $0xb8;
	[tilespmem:$0x1F900] =	vst v63  }
0x3a: {  	_ =	swait.ge [sflag:s11], $0x2000  }
0x3b: {  	[sflag:s11] =	ssyncset.done $0x0  }
0x3c: {  	[sflag:s11] =	ssyncadd.s32 $0xFFFFE000  }
0x3d: {  	[bflag:$0x0] =	sbarrier.arrive $0xFFFF  }
0x3e: {  	[tilespmem:s10], [sflag:$0x2] =	stream.linear.gather [spmem:s4], $0x9E00, $0x38;
	[tilespmem:$0x1F900] =	vst v63  }
0x3f: {  	s16 =	sadd.s32 $0x1, s16;
	_ =	swait.ge [sflag:s11], $0x9E00  }
0x40: {  	p0 =	sne.s32 s16, s9;
	[sflag:s11] =	ssyncset.done $0x0  }
.Ltmp2:
0x41: {  	[sflag:s11] =	ssyncadd.s32 $0xFFFF6200;
	(pc) =	sbr.rel @p0 .LBB2_1-.Ltmp2, $4  }
0x42: {  	[hbm4b:s8+s3] =	stream.linear.scatter [tilespmem:s10], [sflag:$0x2], $0x9E00, $0x38;
	[tilespmem:$0x1F900] =	vst v63  }
0x43: {  	_ =	swait.ge [sflag:s11], $0x9E00  }
0x44: {  	[sflag:s11] =	ssyncset.done $0x0  }
0x45: {  	[sflag:s11] =	ssyncadd.s32 $0xFFFF6200  }
0x46: {  	_ =	sfence.sel $0x180000  }
0x47: {  	[bflag:$0x0] =	sbarrier.arrive $0xFFFF  }
0x48: {  	p0 =	sne.s32 s1, $0x0;
	_ =	strace $0x9000004A  }
0x49: {  	s0 =	sadd.s32 @!p0 $0x100000, s0;
	[bflag:$0x2] =	sbarrier.arrive $0xFFFF  }
0x4a: {  	[sflag:s0] =	ssyncadd.tile.s32 @!p0 $0x1;
	_ =	shalt  }
.Lfunc_end2:
_tile_overlayer_lowered:
.L_overlay_start_2:
0x4b: {  	(tag) =	ssettag $0x2  }
0x4c: {  	s0 =	rddreg [dreg:$0x0];
	s2 =	stileid.u32  }
0x4d: {  	s1 =	rddreg [dreg:$0x1];
	p0 =	sne.s32 s2, $0x0  }
0x4e: {  	s3 =	rddreg [dreg:$0x2];
	[bflag:$0x3] =	sbarrier.arrive $0xFFFF;
	s2 =	simm.s32 @!p0 $0x1C02  }
0x4f: {  	[timem:s3], [sflag:s2] =	dma.local @!p0 [hbm:s0], s1  }
0x50: {  	s0 =	simm.s32 @!p0 $0x2  }
0x51: {  	_ =	swait.ge @!p0 [sflag:s0], s1  }
0x52: {  	s1 =	ssub.s32 @!p0 $0x0, s1;
	[sflag:s0] =	ssyncset.done @!p0 $0x0  }
0x53: {  	[sflag:s0] =	ssyncadd.s32 @!p0 s1  }
0x54: {  	[bflag:$0x3] =	sbarrier.arrive $0xFFFF  }
0x55: {  	_ =	shalt  }

// kernel: kernel.14.cloned.1.call-start
scs
__scs_entry_jumppad:
0x0: {  	(pc) =	sbr.rel $0x88, $3  }
0x1: {  	(tag) =	ssettag $0x0;
	lr =	simm.s32 $0x1  }
0x2: {  	[smem:$0x3F99] =	sst lr;
	_ =	strace $0xD0000000  }
0x3: {  	_ = 	snop  }
0x4: {  	_ = 	snop  }
0x5: {  	_ = 	snop  }
0x6: {  	_ = 	snop  }
0x7: {  	_ = 	snop  }
__scs_overlays_trampoline_lowered:
0x8: {  	[smem:$0x3FA8] =	sst s0  }
0x9: {  	[smem:$0x3FA9] =	sst s1  }
0xa: {  	[smem:$0x3FAA] =	sst s2  }
0xb: {  	[smem:$0x3FAB] =	sst s3  }
0xc: {  	[smem:$0x3FAC] =	sst s4  }
0xd: {  	[smem:$0x3FAD] =	sst s5  }
0xe: {  	[smem:$0x3FAE] =	sst s6  }
0xf: {  	[smem:$0x3FAF] =	sst s7  }
0x10: {  	[smem:$0x3FB0] =	sst s8  }
0x11: {  	[smem:$0x3FB1] =	sst s9;
	s0 =	simm.s32 @!p0 $0x0  }
0x12: {  	s1 =	sld [smem:$0x3F97];
	s0 =	simm.s32 @p0 $0x1  }
0x13: {  	[smem:$0x3FB2] =	sst s0;
	s0 =	simm.s32 @!p1 $0x0  }
0x14: {  	s2 =	sld [smem:$0x3F96];
	s0 =	simm.s32 @p1 $0x1  }
0x15: {  	[smem:$0x3FB3] =	sst s0;
	s0 =	simm.s32 @!p2 $0x0  }
0x16: {  	s3 =	sld [smem:$0x3FDB];
	s0 =	simm.s32 @p2 $0x1  }
0x17: {  	s4 =	simm.s32 $0x1BF5;
	[smem:$0x3FB5] =	sst s0  }
0x18: {  	s0 =	sld [smem:$0x3F98];
	_ =	swait.ge [sflag:s4], $0x0  }
0x19: {  	s7 =	sld [smem:$0x3F99]  }
0x1a: {  	s8 =	sadd.s32 $0xFFFFE003, lr  }
0x1b: {  	s9 =	sadd.s32 $0xFFFFFEF7, lr;
	s5 =	simm.s32 $0xFFFFFFFF;
	p2 =	slt.u32 s8, $0xFFFFF086  }
0x1c: {  	p1 =	slt.u32 s9, $0xF7A;
	s5 =	simm.s32 @!p2 $0x0  }
0x1d: {  	s5 =	simm.s32 @p1 $0x1;
	p0 =	seq.s32 s7, s2  }
0x1e: {  	s7 =	smul.u32 @!p0 $0xF7A, s2;
	p2 =	seq.s32 @!p0 s5, $0x0  }
0x1f: {  	s9 =	smul.u32 $0xF7A, s1;
	s8 =	simm.s32 @!p0 $0x1BF5;
	p2 =	por !p2, p0  }
0x20: {  	[sflag:s8] =	ssyncset.s32 @!p0 $0xFFFFF086;
	s6 =	sadd.s32 @!p0 s3, s7;
	s7 =	simm.s32 @!p0 $0x108  }
0x21: {  	s3 =	sadd.s32 s3, s9;
	s6 =	sadd.s32 @!p0 $0x88, s6;
	s7 =	simm.s32 @p2 $0x1082  }
0x22: {  	[simem:s7], [sflag:s8] =	dma.local @!p0 [hbm:s6], $0xF7A  }
0x23: {  	s9 =	sor.u32 $0xD0000000, s2;
	s6 =	simm.s32 $0x108;
	_ =	swait.ge @!p0 [sflag:s8], $0x0  }
0x24: {  	s3 =	sadd.s32 $0x88, s3;
	s6 =	simm.s32 @!p1 $0x1082;
	[sflag:s4] =	ssyncset.s32 $0xFFFFF086  }
0x25: {  	[simem:s6], [sflag:s4] =	dma.local [hbm:s3], $0xF7A  }
0x26: {  	[smem:$0x3F99] =	sst s1;
	(tag) =	ssettag s2;
	_ =	strace s9  }
0x27: {  	s1 =	sld [smem:$0x3FA9]  }
0x28: {  	s2 =	sld [smem:$0x3FAA]  }
0x29: {  	s4 =	sld [smem:$0x3FAC]  }
0x2a: {  	p0 =	seq.s32 s5, $0x0;
	s5 =	sld [smem:$0x3FAD]  }
0x2b: {  	s6 =	sld [smem:$0x3FAE]  }
0x2c: {  	s7 =	sld [smem:$0x3FAF]  }
0x2d: {  	s3 =	simm.s32 $0x108;
	s8 =	sld [smem:$0x3FB0]  }
0x2e: {  	s3 =	simm.s32 @!p0 $0x1082;
	s9 =	sld [smem:$0x3FB1]  }
0x2f: {  	lr =	sadd.s32 s0, s3;
	s0 =	sld [smem:$0x3FA8]  }
0x30: {  	s3 =	sld [smem:$0x3FAB]  }
0x31: {  	[smem:$0x3FB4] =	sst s10  }
0x32: {  	s10 =	sld [smem:$0x3FB2];
	_ =	sdelay $0x3  }
0x33: {  	p0 =	seq.s32 s10, $0x1;
	s10 =	sld [smem:$0x3FB4];
	_ =	sdelay $0x3  }
0x34: {  	[smem:$0x3FB4] =	sst s10  }
0x35: {  	s10 =	sld [smem:$0x3FB3];
	_ =	sdelay $0x3  }
0x36: {  	p1 =	seq.s32 s10, $0x1;
	s10 =	sld [smem:$0x3FB4];
	_ =	sdelay $0x3  }
0x37: {  	[smem:$0x3FB4] =	sst s10  }
0x38: {  	s10 =	sld [smem:$0x3FB5]  }
0x39: {  	_ = 	snop;
	(pc) =	sbr.ind lr, $3  }
0x3a: {  	_ = 	snop  }
0x3b: {  	_ = 	snop  }
0x3c: {  	p2 =	seq.s32 s10, $0x1;
	s10 =	sld [smem:$0x3FB4]  }
0x3d: {  	_ =	shalt  }
0x3e: {  	_ =	shalt  }
0x3f: {  	_ =	shalt  }
0x40: {  	_ =	shalt  }
0x41: {  	_ =	shalt  }
0x42: {  	_ =	shalt  }
0x43: {  	_ =	shalt  }
0x44: {  	_ =	shalt  }
0x45: {  	_ =	shalt  }
0x46: {  	_ =	shalt  }
0x47: {  	_ =	shalt  }
0x48: {  	_ =	shalt  }
0x49: {  	_ =	shalt  }
0x4a: {  	_ =	shalt  }
0x4b: {  	_ =	shalt  }
0x4c: {  	_ =	shalt  }
0x4d: {  	_ =	shalt  }
0x4e: {  	_ =	shalt  }
0x4f: {  	_ =	shalt  }
0x50: {  	_ =	shalt  }
0x51: {  	_ =	shalt  }
0x52: {  	_ =	shalt  }
0x53: {  	_ =	shalt  }
0x54: {  	_ =	shalt  }
0x55: {  	_ =	shalt  }
0x56: {  	_ =	shalt  }
0x57: {  	_ =	shalt  }
0x58: {  	_ =	shalt  }
0x59: {  	_ =	shalt  }
0x5a: {  	_ =	shalt  }
0x5b: {  	_ =	shalt  }
0x5c: {  	_ =	shalt  }
0x5d: {  	_ =	shalt  }
0x5e: {  	_ =	shalt  }
0x5f: {  	_ =	shalt  }
0x60: {  	_ =	shalt  }
0x61: {  	_ =	shalt  }
0x62: {  	_ =	shalt  }
0x63: {  	_ =	shalt  }
0x64: {  	_ =	shalt  }
0x65: {  	_ =	shalt  }
0x66: {  	_ =	shalt  }
0x67: {  	_ =	shalt  }
0x68: {  	_ =	shalt  }
0x69: {  	_ =	shalt  }
0x6a: {  	_ =	shalt  }
0x6b: {  	_ =	shalt  }
0x6c: {  	_ =	shalt  }
0x6d: {  	_ =	shalt  }
0x6e: {  	_ =	shalt  }
0x6f: {  	_ =	shalt  }
0x70: {  	_ =	shalt  }
0x71: {  	_ =	shalt  }
0x72: {  	_ =	shalt  }
0x73: {  	_ =	shalt  }
0x74: {  	_ =	shalt  }
0x75: {  	_ =	shalt  }
0x76: {  	_ =	shalt  }
0x77: {  	_ =	shalt  }
0x78: {  	_ =	shalt  }
0x79: {  	_ =	shalt  }
0x7a: {  	_ =	shalt  }
0x7b: {  	_ =	shalt  }
0x7c: {  	_ =	shalt  }
0x7d: {  	_ =	shalt  }
0x7e: {  	_ =	shalt  }
0x7f: {  	_ =	shalt  }
0x80: {  	_ =	shalt  }
0x81: {  	_ =	shalt  }
0x82: {  	_ =	shalt  }
0x83: {  	_ =	shalt  }
0x84: {  	_ =	shalt  }
0x85: {  	_ =	shalt  }
0x86: {  	_ =	shalt  }
0x87: {  	_ =	shalt  }
.Lfunc_end0:
.L_simem_size_0:
called_computation.2_lowered:
.L_overlay_start_0:
0x88: {  	s2 =	sld [smem:$0x3FD9]  }
0x89: {  	s3 =	sld [smem:$0x3FFE];
	_ =	sdelay $0x1  }
0x8a: {  	s1 =	srdreg.scid  }
0x8b: {  	s0 =	sand.u32 $0x1, s1  }
0x8c: {  	s16 =	sshll.u32 s0, $0xA;
	s2 =	sadd.s32 s3, s2  }
0x8d: {  	s2 =	sadd.s32 s2, s16  }
0x8e: {  	[smem:$0x3FC0] =	sst s2  }
0x8f: {  	_ = 	snop  }
0x90: {  	(tm) =	ssettm $0x1  }
0x91: {  	s17 =	sld [smem:$0x3FFB];
	_ =	sdelay $0x3  }
0x92: {  	_ =	strace s17  }
0x93: {  	s2 =	sld [smem:$0x3FFC];
	_ =	sdelay $0x3  }
0x94: {  	_ =	strace s2  }
0x95: {  	s2 =	sld [smem:$0x3FFD];
	_ =	sdelay $0x3  }
0x96: {  	_ =	strace s2  }
0x97: {  	_ =	strace $0x8FFFFFFF  }
0x98: {  	s18 =	sld [smem:$0x3FDB];
	_ =	sdelay $0x1  }
0x99: {  	s19 =	simm.s32 $_scs_section_size  }
0x9a: {  	s4 =	simm.s32 $_size__tile_overlayer_lowered;
	s5 =	simm.s32 $_tile_overlayer_lowered  }
0x9b: {  	s22 =	simm.s32 $0x1BFF;
	s21 =	sshll.u32 s5, $0x1;
	s2 =	sadd.s32 s19, s18  }
0x9c: {  	s6 =	simm.s32 $0x0;
	s20 =	sshll.u32 s4, $0x1;
	s4 =	sadd.s32 s21, s2  }
0x9d: {  	[timem:s6], [sflag:s22] =	dma.local [hbm:s4], s20  }
0x9e: {  	_ =	swait.ge [sflag:s22], s20  }
0x9f: {  	s3 =	ssub.s32 $0x0, s20;
	[sflag:s22] =	ssyncset.done $0x0  }
0xa0: {  	[sflag:s22] =	ssyncadd.s32 s3;
	_ =	sdelay $0x1  }
0xa1: {  	s23 =	simm.s32 $0x1B8B  }
0xa2: {  	_ =	swait.ge [sflag:s23], $0x1  }
0xa3: {  	[sflag:s23] =	ssyncset.done $0x0  }
0xa4: {  	s25 =	simm.s32 $0x1B8E;
	s24 =	sld [smem:$0x3FFE];
	[sflag:s23] =	ssyncadd.s32 $0xFFFFFFFF  }
0xa5: {  	s26 =	simm.s32 $execute0_lowered;
	[smem:$0x3FD2] =	sst s25  }
0xa6: {  	s4 =	sshll.u32 s26, $0x1;
	_ =	strace $0x8000004C;
	[dreg:$0x1] =	wrdreg $0xFFFFFFFF  }
0xa7: {  	s28 =	simm.s32 $_size_execute0_lowered;
	s2 =	sadd.s32 s2, s4;
	[dreg:$0x0] =	wrdreg $0x0  }
0xa8: {  	s4 =	sshll.u32 s28, $0x1;
	[dreg:$0x2] =	wrdreg s2  }
0xa9: {  	[dreg:$0x3] =	wrdreg s4  }
0xaa: {  	[dreg:$0x4] =	wrdreg $0xC0  }
0xab: {  	_ =	task [dreg:s6], $0x5FFFF  }
0xac: {  	[dreg:$0x1] =	wrdreg $0xFFFFFFFF  }
0xad: {  	[dreg:$0x0] =	wrdreg $0x60  }
0xae: {  	[dreg:$0x2] =	wrdreg s24  }
0xaf: {  	[dreg:$0x3] =	wrdreg $0x15B000  }
0xb0: {  	[dreg:$0x4] =	wrdreg $0x9  }
0xb1: {  	_ =	task.clear_ibuf [dreg:s6], $0x5FFFF;
	_ =	strace $0x9000004C  }
0xb2: {  	s29 =	simm.s32 $0x9;
	_ =	strace $0x8000004E  }
0xb3: {  	_ =	swait.ge [sflag:s29], $0x1  }
0xb4: {  	[sflag:s29] =	ssyncadd.s32 $0xFFFFFFFF  }
0xb5: {  	_ =	strace $0x9000004E  }
0xb6: {  	_ =	sfence  }
0xb7: {  	s30 =	sld [smem:$0x0];
	_ =	sdelay $0x2  }
0xb8: {  	s31 =	sshll.u32 s1, $0xD;
	s1 =	sshrl.u32 s1, $0x2  }
0xb9: {  	s3 =	sand.u32 $0x4000, s31;
	s1 =	sadd.s32 s1, s30  }
0xba: {  	s0 =	sor.u32 s3, s0;
	s1 =	sshll.u32 s1, $0x11  }
0xbb: {  	s0 =	sor.u32 s1, s0  }
0xbc: {  	s0 =	sadd.s32 $0x8F2B, s0  }
0xbd: {  	[sflag:s0] =	ssyncadd.remote.s32 $0x1  }
0xbe: {  	_ =	sfence.sel $0xFFFF  }
0xbf: {  	[dreg:$0x0] =	wrdreg $0xFFFFFFFF;
	(pc) =	sbr.abs _section_cstart, $3  }
0xc0: {  	[dreg:$0x1] =	wrdreg $0xFFFFFFFF  }
0xc1: {  	_ =	task.clear_ibuf [dreg:s6], $0x2FFFF;
	_ =	strace $0x9FFFFFFF  }
0xc2: {  	(tm) =	ssettm $0x7FFFFFFF  }
0xc3: {  	_ =	shalt  }
tec
execute0_lowered:
.L_overlay_start_1:
0x0: {  	(tag) =	ssettag $0x1  }
0x1: {  	s4 =	rddreg [dreg:$0x0];
	s0 =	srdreg.scid  }
0x2: {  	s2 =	rddreg [dreg:$0x1];
	s1 =	stileid.u32  }
0x3: {  	s3 =	simm.s32 $0x0;
	s12 =	simm.s32 $0x4E80;
	s13 =	simm.s32 $0x80  }
0x4: {  	s14 =	simm.s32 $0x9D00;
	s15 =	simm.s32 $0x1;
	s7 =	smul.u32 $0x9E00, s1  }
0x5: {  	s5 =	sand.u32 $0x1, s0;
	s0 =	rddreg [dreg:$0x2];
	s9 =	smul.u32 $0x9D0, s1  }
0x6: {  	s16 =	simm.s32 $0x0;
	[smem:$0x7FF] =	sst s3;
	s8 =	smul.u32 $0x9E000, s5  }
0x7: {  	s6 =	smul.u32 $0x13880, s5;
	_ =	strace $0x8000004D;
	s5 =	ssub.s32 $0x2, s5  }
0x8: {  	s30 =	sadd.s32 s9, s4;
	s31 =	sshrl.u32 s5, $0x1;
	s29 =	sadd.s32 s7, s8  }
0x9: {  	s10 =	sadd.s32 s6, s4;
	s9 =	ssub.s32 s5, s31;
	s6 =	sshrl.u32 s29, $0x3  }
0xa: {  	s5 =	sadd.s32 $0x1F800, s30;
	s9 =	smax.u32 s9, $0x1;
	s11 =	sadd.s32 s6, s4  }
0xb: {  	s4 =	sadd.s32 s7, s2;
	s6 =	sadd.s32 $0x15A00, s30;
	s7 =	sadd.s32 $0x78600, s10  }
0xc: {  	v0 =	vimm.f32 $0.0e+00;
	s10 =	simm.s32 $0xBD00;
	s8 =	sadd.s32 $0x9F800, s11;
	s11 =	simm.s32 $0x2  }
.LBB2_1:
0xd: {  	s18 =	simm.s32 $0x100;
	s17 =	simm.s32 $0x0  }
.LBB2_2:
0xe: {  	p0 =	sne.s32 s18, $0x27700;
	[tilespmem:s17+$0xBD30] =	vst v0;
	s19 =	smov.u32 s18;
	s18 =	sadd.s32 $0x100, s18  }
.Ltmp0:
0xf: {  	[tilespmem:s17+$0xBD20] =	vst v0;
	(pc) =	sbr.rel @p0 .LBB2_2-.Ltmp0, $3  }
0x10: {  	[tilespmem:s17+$0xBD00] =	vst v0  }
0x11: {  	[tilespmem:s17+$0xBD10] =	vst v0;
	_ =	sdelay $0x1  }
0x12: {  	s17 =	sshra.s32 s19, $0x2  }
0x13: {  	[tilespmem:s17+$0xBD30] =	vst v0  }
0x14: {  	[tilespmem:s17+$0xBD20] =	vst v0  }
0x15: {  	[tilespmem:s17+$0xBD00] =	vst v0  }
0x16: {  	[tilespmem:s17+$0xBD10] =	vst v0  }
0x17: {  	[spmem:s4] =	stream.linear.scatter [tilespmem:s10], [sflag:$0x2], $0x9E00, $0x38;
	[tilespmem:$0x1F900] =	vst v63  }
0x18: {  	_ =	swait.ge [sflag:s11], $0x9E00  }
0x19: {  	[sflag:s11] =	ssyncset.done $0x0  }
0x1a: {  	[sflag:s11] =	ssyncadd.s32 $0xFFFF6200  }
0x1b: {  	s29 =	simm.s32 $0x0;
	[bflag:$0x0] =	sbarrier.arrive $0xFFFF  }
0x1c: {  	[tilespmem:s29], [sflag:$0x2] =	stream.linear.gather [hbm4b:s5+s29], $0x4E80, $0x38;
	[tilespmem:$0x1F900] =	vst v63  }
0x1d: {  	_ =	swait.ge [sflag:s11], $0x4E80  }
0x1e: {  	[sflag:s11] =	ssyncset.done $0x0  }
0x1f: {  	[sflag:s11] =	ssyncadd.s32 $0xFFFFB180  }
0x20: {  	[tilespmem:s12], [sflag:$0x2] =	stream.linear.gather [hbm4b:s6+s29], $0x4E80, $0x38;
	[tilespmem:$0x1F900] =	vst v63  }
0x21: {  	_ =	swait.ge [sflag:s11], $0x4E80  }
0x22: {  	[sflag:s11] =	ssyncset.done $0x0  }
0x23: {  	s30 =	simm.s32 $0x0;
	[sflag:s11] =	ssyncadd.s32 $0xFFFFB180  }
0x24: {  	[tilespmem:s14], [sflag:$0x1] =	stream.indirect.gather [hbm4b:s7+s13], $0x40, s30, s13, $0xb8;
	[tilespmem:$0x1F900] =	vst v63  }
0x25: {  	_ =	swait.ge [sflag:s15], $0x2000  }
0x26: {  	[sflag:s15] =	ssyncset.done $0x0  }
0x27: {  	s31 =	simm.s32 $0x4E80;
	[sflag:s15] =	ssyncadd.s32 $0xFFFFE000  }
0x28: {  	[spmem:s2] =	stream.indirect.scatter.add.f32 [tilespmem:s14], [sflag:$0x2], $0x40, s31, s13, $0xb8;
	[tilespmem:$0x1F900] =	vst v63  }
0x29: {  	_ =	swait.ge [sflag:s11], $0x2000  }
0x2a: {  	s17 =	simm.s32 $0x200;
	s18 =	simm.s32 $0x400;
	[sflag:s11] =	ssyncset.done $0x0  }
.LBB2_4:
0x2b: {  	s19 =	sshra.s32 s17, $0x2  }
0x2c: {  	[sflag:s11] =	ssyncadd.s32 $0xFFFFE000;
	s17 =	smov.u32 s18;
	s20 =	sadd.s32 $0x200, s18  }
0x2d: {  	[tilespmem:s14], [sflag:$0x1] =	stream.indirect.gather [hbm4b:s7+s13], $0x40, s19, s13, $0xb8;
	[tilespmem:$0x1F900] =	vst v63  }
0x2e: {  	p0 =	sne.s32 s18, $0x13800;
	_ =	swait.ge [sflag:s15], $0x2000  }
.Ltmp1:
0x2f: {  	[sflag:s15] =	ssyncset.done $0x0;
	(pc) =	sbr.rel @p0 .LBB2_4-.Ltmp1, $4  }
0x30: {  	s18 =	sadd.s32 $0x4E80, s19;
	[sflag:s15] =	ssyncadd.s32 $0xFFFFE000  }
0x31: {  	[spmem:s2] =	stream.indirect.scatter.add.f32 [tilespmem:s14], [sflag:$0x2], $0x40, s18, s13, $0xb8;
	[tilespmem:$0x1F900] =	vst v63  }
0x32: {  	_ =	swait.ge [sflag:s11], $0x2000  }
0x33: {  	s18 =	smov.u32 s20;
	[sflag:s11] =	ssyncset.done $0x0  }
0x34: {  	s17 =	sshra.s32 s17, $0x2;
	[sflag:s11] =	ssyncadd.s32 $0xFFFFE000  }
0x35: {  	[tilespmem:s14], [sflag:$0x1] =	stream.indirect.gather [hbm4b:s7+s13], $0x40, s17, s13, $0xb8;
	[tilespmem:$0x1F900] =	vst v63  }
0x36: {  	_ =	swait.ge [sflag:s15], $0x2000  }
0x37: {  	[sflag:s15] =	ssyncset.done $0x0  }
0x38: {  	s17 =	sadd.s32 $0x4E80, s17;
	[sflag:s15] =	ssyncadd.s32 $0xFFFFE000  }
0x39: {  	[spmem:s2] =	stream.indirect.scatter.add.f32 [tilespmem:s14], [sflag:$0x2], $0x40, s17, s13, $0xb8;
	[tilespmem:$0x1F900] =	vst v63  }
0x3a: {  	_ =	swait.ge [sflag:s11], $0x2000  }
0x3b: {  	[sflag:s11] =	ssyncset.done $0x0  }
0x3c: {  	[sflag:s11] =	ssyncadd.s32 $0xFFFFE000  }
0x3d: {  	[bflag:$0x0] =	sbarrier.arrive $0xFFFF  }
0x3e: {  	[tilespmem:s10], [sflag:$0x2] =	stream.linear.gather [spmem:s4], $0x9E00, $0x38;
	[tilespmem:$0x1F900] =	vst v63  }
0x3f: {  	s16 =	sadd.s32 $0x1, s16;
	_ =	swait.ge [sflag:s11], $0x9E00  }
0x40: {  	p0 =	sne.s32 s16, s9;
	[sflag:s11] =	ssyncset.done $0x0  }
.Ltmp2:
0x41: {  	[sflag:s11] =	ssyncadd.s32 $0xFFFF6200;
	(pc) =	sbr.rel @p0 .LBB2_1-.Ltmp2, $4  }
0x42: {  	[hbm4b:s8+s3] =	stream.linear.scatter [tilespmem:s10], [sflag:$0x2], $0x9E00, $0x38;
	[tilespmem:$0x1F900] =	vst v63  }
0x43: {  	_ =	swait.ge [sflag:s11], $0x9E00  }
0x44: {  	[sflag:s11] =	ssyncset.done $0x0  }
0x45: {  	[sflag:s11] =	ssyncadd.s32 $0xFFFF6200  }
0x46: {  	_ =	sfence.sel $0x180000  }
0x47: {  	[bflag:$0x0] =	sbarrier.arrive $0xFFFF  }
0x48: {  	p0 =	sne.s32 s1, $0x0;
	_ =	strace $0x9000004D  }
0x49: {  	s0 =	sadd.s32 @!p0 $0x100000, s0;
	[bflag:$0x2] =	sbarrier.arrive $0xFFFF  }
0x4a: {  	[sflag:s0] =	ssyncadd.tile.s32 @!p0 $0x1;
	_ =	shalt  }
.Lfunc_end2:
_tile_overlayer_lowered:
.L_overlay_start_2:
0x4b: {  	(tag) =	ssettag $0x2  }
0x4c: {  	s0 =	rddreg [dreg:$0x0];
	s2 =	stileid.u32  }
0x4d: {  	s1 =	rddreg [dreg:$0x1];
	p0 =	sne.s32 s2, $0x0  }
0x4e: {  	s3 =	rddreg [dreg:$0x2];
	[bflag:$0x3] =	sbarrier.arrive $0xFFFF;
	s2 =	simm.s32 @!p0 $0x1C02  }
0x4f: {  	[timem:s3], [sflag:s2] =	dma.local @!p0 [hbm:s0], s1  }
0x50: {  	s0 =	simm.s32 @!p0 $0x2  }
0x51: {  	_ =	swait.ge @!p0 [sflag:s0], s1  }
0x52: {  	s1 =	ssub.s32 @!p0 $0x0, s1;
	[sflag:s0] =	ssyncset.done @!p0 $0x0  }
0x53: {  	[sflag:s0] =	ssyncadd.s32 @!p0 s1  }
0x54: {  	[bflag:$0x3] =	sbarrier.arrive $0xFFFF  }
0x55: {  	_ =	shalt  }

// kernel: kernel.8.cloned.1.call-start
scs
__scs_entry_jumppad:
0x0: {  	(pc) =	sbr.rel $0x88, $3  }
0x1: {  	(tag) =	ssettag $0x0;
	lr =	simm.s32 $0x1  }
0x2: {  	[smem:$0x3F99] =	sst lr;
	_ =	strace $0xD0000000  }
0x3: {  	_ = 	snop  }
0x4: {  	_ = 	snop  }
0x5: {  	_ = 	snop  }
0x6: {  	_ = 	snop  }
0x7: {  	_ = 	snop  }
__scs_overlays_trampoline_lowered:
0x8: {  	[smem:$0x3FA8] =	sst s0  }
0x9: {  	[smem:$0x3FA9] =	sst s1  }
0xa: {  	[smem:$0x3FAA] =	sst s2  }
0xb: {  	[smem:$0x3FAB] =	sst s3  }
0xc: {  	[smem:$0x3FAC] =	sst s4  }
0xd: {  	[smem:$0x3FAD] =	sst s5  }
0xe: {  	[smem:$0x3FAE] =	sst s6  }
0xf: {  	[smem:$0x3FAF] =	sst s7  }
0x10: {  	[smem:$0x3FB0] =	sst s8  }
0x11: {  	[smem:$0x3FB1] =	sst s9;
	s0 =	simm.s32 @!p0 $0x0  }
0x12: {  	s1 =	sld [smem:$0x3F97];
	s0 =	simm.s32 @p0 $0x1  }
0x13: {  	[smem:$0x3FB2] =	sst s0;
	s0 =	simm.s32 @!p1 $0x0  }
0x14: {  	s2 =	sld [smem:$0x3F96];
	s0 =	simm.s32 @p1 $0x1  }
0x15: {  	[smem:$0x3FB3] =	sst s0;
	s0 =	simm.s32 @!p2 $0x0  }
0x16: {  	s3 =	sld [smem:$0x3FDB];
	s0 =	simm.s32 @p2 $0x1  }
0x17: {  	s4 =	simm.s32 $0x1BF5;
	[smem:$0x3FB5] =	sst s0  }
0x18: {  	s0 =	sld [smem:$0x3F98];
	_ =	swait.ge [sflag:s4], $0x0  }
0x19: {  	s7 =	sld [smem:$0x3F99]  }
0x1a: {  	s8 =	sadd.s32 $0xFFFFE003, lr  }
0x1b: {  	s9 =	sadd.s32 $0xFFFFFEF7, lr;
	s5 =	simm.s32 $0xFFFFFFFF;
	p2 =	slt.u32 s8, $0xFFFFF086  }
0x1c: {  	p1 =	slt.u32 s9, $0xF7A;
	s5 =	simm.s32 @!p2 $0x0  }
0x1d: {  	s5 =	simm.s32 @p1 $0x1;
	p0 =	seq.s32 s7, s2  }
0x1e: {  	s7 =	smul.u32 @!p0 $0xF7A, s2;
	p2 =	seq.s32 @!p0 s5, $0x0  }
0x1f: {  	s9 =	smul.u32 $0xF7A, s1;
	s8 =	simm.s32 @!p0 $0x1BF5;
	p2 =	por !p2, p0  }
0x20: {  	[sflag:s8] =	ssyncset.s32 @!p0 $0xFFFFF086;
	s6 =	sadd.s32 @!p0 s3, s7;
	s7 =	simm.s32 @!p0 $0x108  }
0x21: {  	s3 =	sadd.s32 s3, s9;
	s6 =	sadd.s32 @!p0 $0x88, s6;
	s7 =	simm.s32 @p2 $0x1082  }
0x22: {  	[simem:s7], [sflag:s8] =	dma.local @!p0 [hbm:s6], $0xF7A  }
0x23: {  	s9 =	sor.u32 $0xD0000000, s2;
	s6 =	simm.s32 $0x108;
	_ =	swait.ge @!p0 [sflag:s8], $0x0  }
0x24: {  	s3 =	sadd.s32 $0x88, s3;
	s6 =	simm.s32 @!p1 $0x1082;
	[sflag:s4] =	ssyncset.s32 $0xFFFFF086  }
0x25: {  	[simem:s6], [sflag:s4] =	dma.local [hbm:s3], $0xF7A  }
0x26: {  	[smem:$0x3F99] =	sst s1;
	(tag) =	ssettag s2;
	_ =	strace s9  }
0x27: {  	s1 =	sld [smem:$0x3FA9]  }
0x28: {  	s2 =	sld [smem:$0x3FAA]  }
0x29: {  	s4 =	sld [smem:$0x3FAC]  }
0x2a: {  	p0 =	seq.s32 s5, $0x0;
	s5 =	sld [smem:$0x3FAD]  }
0x2b: {  	s6 =	sld [smem:$0x3FAE]  }
0x2c: {  	s7 =	sld [smem:$0x3FAF]  }
0x2d: {  	s3 =	simm.s32 $0x108;
	s8 =	sld [smem:$0x3FB0]  }
0x2e: {  	s3 =	simm.s32 @!p0 $0x1082;
	s9 =	sld [smem:$0x3FB1]  }
0x2f: {  	lr =	sadd.s32 s0, s3;
	s0 =	sld [smem:$0x3FA8]  }
0x30: {  	s3 =	sld [smem:$0x3FAB]  }
0x31: {  	[smem:$0x3FB4] =	sst s10  }
0x32: {  	s10 =	sld [smem:$0x3FB2];
	_ =	sdelay $0x3  }
0x33: {  	p0 =	seq.s32 s10, $0x1;
	s10 =	sld [smem:$0x3FB4];
	_ =	sdelay $0x3  }
0x34: {  	[smem:$0x3FB4] =	sst s10  }
0x35: {  	s10 =	sld [smem:$0x3FB3];
	_ =	sdelay $0x3  }
0x36: {  	p1 =	seq.s32 s10, $0x1;
	s10 =	sld [smem:$0x3FB4];
	_ =	sdelay $0x3  }
0x37: {  	[smem:$0x3FB4] =	sst s10  }
0x38: {  	s10 =	sld [smem:$0x3FB5]  }
0x39: {  	_ = 	snop;
	(pc) =	sbr.ind lr, $3  }
0x3a: {  	_ = 	snop  }
0x3b: {  	_ = 	snop  }
0x3c: {  	p2 =	seq.s32 s10, $0x1;
	s10 =	sld [smem:$0x3FB4]  }
0x3d: {  	_ =	shalt  }
0x3e: {  	_ =	shalt  }
0x3f: {  	_ =	shalt  }
0x40: {  	_ =	shalt  }
0x41: {  	_ =	shalt  }
0x42: {  	_ =	shalt  }
0x43: {  	_ =	shalt  }
0x44: {  	_ =	shalt  }
0x45: {  	_ =	shalt  }
0x46: {  	_ =	shalt  }
0x47: {  	_ =	shalt  }
0x48: {  	_ =	shalt  }
0x49: {  	_ =	shalt  }
0x4a: {  	_ =	shalt  }
0x4b: {  	_ =	shalt  }
0x4c: {  	_ =	shalt  }
0x4d: {  	_ =	shalt  }
0x4e: {  	_ =	shalt  }
0x4f: {  	_ =	shalt  }
0x50: {  	_ =	shalt  }
0x51: {  	_ =	shalt  }
0x52: {  	_ =	shalt  }
0x53: {  	_ =	shalt  }
0x54: {  	_ =	shalt  }
0x55: {  	_ =	shalt  }
0x56: {  	_ =	shalt  }
0x57: {  	_ =	shalt  }
0x58: {  	_ =	shalt  }
0x59: {  	_ =	shalt  }
0x5a: {  	_ =	shalt  }
0x5b: {  	_ =	shalt  }
0x5c: {  	_ =	shalt  }
0x5d: {  	_ =	shalt  }
0x5e: {  	_ =	shalt  }
0x5f: {  	_ =	shalt  }
0x60: {  	_ =	shalt  }
0x61: {  	_ =	shalt  }
0x62: {  	_ =	shalt  }
0x63: {  	_ =	shalt  }
0x64: {  	_ =	shalt  }
0x65: {  	_ =	shalt  }
0x66: {  	_ =	shalt  }
0x67: {  	_ =	shalt  }
0x68: {  	_ =	shalt  }
0x69: {  	_ =	shalt  }
0x6a: {  	_ =	shalt  }
0x6b: {  	_ =	shalt  }
0x6c: {  	_ =	shalt  }
0x6d: {  	_ =	shalt  }
0x6e: {  	_ =	shalt  }
0x6f: {  	_ =	shalt  }
0x70: {  	_ =	shalt  }
0x71: {  	_ =	shalt  }
0x72: {  	_ =	shalt  }
0x73: {  	_ =	shalt  }
0x74: {  	_ =	shalt  }
0x75: {  	_ =	shalt  }
0x76: {  	_ =	shalt  }
0x77: {  	_ =	shalt  }
0x78: {  	_ =	shalt  }
0x79: {  	_ =	shalt  }
0x7a: {  	_ =	shalt  }
0x7b: {  	_ =	shalt  }
0x7c: {  	_ =	shalt  }
0x7d: {  	_ =	shalt  }
0x7e: {  	_ =	shalt  }
0x7f: {  	_ =	shalt  }
0x80: {  	_ =	shalt  }
0x81: {  	_ =	shalt  }
0x82: {  	_ =	shalt  }
0x83: {  	_ =	shalt  }
0x84: {  	_ =	shalt  }
0x85: {  	_ =	shalt  }
0x86: {  	_ =	shalt  }
0x87: {  	_ =	shalt  }
.Lfunc_end0:
.L_simem_size_0:
called_computation_lowered:
.L_overlay_start_0:
0x88: {  	s2 =	sld [smem:$0x3FD9]  }
0x89: {  	s3 =	sld [smem:$0x3FFE];
	_ =	sdelay $0x1  }
0x8a: {  	s1 =	srdreg.scid  }
0x8b: {  	s0 =	sand.u32 $0x1, s1  }
0x8c: {  	s16 =	sshll.u32 s0, $0xA;
	s2 =	sadd.s32 s3, s2  }
0x8d: {  	s2 =	sadd.s32 s2, s16  }
0x8e: {  	[smem:$0x3FC0] =	sst s2  }
0x8f: {  	_ = 	snop  }
0x90: {  	(tm) =	ssettm $0x1  }
0x91: {  	s17 =	sld [smem:$0x3FFB];
	_ =	sdelay $0x3  }
0x92: {  	_ =	strace s17  }
0x93: {  	s2 =	sld [smem:$0x3FFC];
	_ =	sdelay $0x3  }
0x94: {  	_ =	strace s2  }
0x95: {  	s2 =	sld [smem:$0x3FFD];
	_ =	sdelay $0x3  }
0x96: {  	_ =	strace s2  }
0x97: {  	_ =	strace $0x8FFFFFFF  }
0x98: {  	s18 =	sld [smem:$0x3FDB];
	_ =	sdelay $0x1  }
0x99: {  	s19 =	simm.s32 $_scs_section_size  }
0x9a: {  	s4 =	simm.s32 $_size__tile_overlayer_lowered;
	s5 =	simm.s32 $_tile_overlayer_lowered  }
0x9b: {  	s22 =	simm.s32 $0x1BFF;
	s21 =	sshll.u32 s5, $0x1;
	s2 =	sadd.s32 s19, s18  }
0x9c: {  	s6 =	simm.s32 $0x0;
	s20 =	sshll.u32 s4, $0x1;
	s4 =	sadd.s32 s21, s2  }
0x9d: {  	[timem:s6], [sflag:s22] =	dma.local [hbm:s4], s20  }
0x9e: {  	_ =	swait.ge [sflag:s22], s20  }
0x9f: {  	s3 =	ssub.s32 $0x0, s20;
	[sflag:s22] =	ssyncset.done $0x0  }
0xa0: {  	[sflag:s22] =	ssyncadd.s32 s3;
	_ =	sdelay $0x1  }
0xa1: {  	s23 =	simm.s32 $0x1B8B  }
0xa2: {  	_ =	swait.ge [sflag:s23], $0x1  }
0xa3: {  	[sflag:s23] =	ssyncset.done $0x0  }
0xa4: {  	s25 =	simm.s32 $0x1B8E;
	s24 =	sld [smem:$0x3FFE];
	[sflag:s23] =	ssyncadd.s32 $0xFFFFFFFF  }
0xa5: {  	s26 =	simm.s32 $execute0_lowered;
	[smem:$0x3FD2] =	sst s25  }
0xa6: {  	s4 =	sshll.u32 s26, $0x1;
	_ =	strace $0x80000046;
	[dreg:$0x1] =	wrdreg $0xFFFFFFFF  }
0xa7: {  	s28 =	simm.s32 $_size_execute0_lowered;
	s2 =	sadd.s32 s2, s4;
	[dreg:$0x0] =	wrdreg $0x0  }
0xa8: {  	s4 =	sshll.u32 s28, $0x1;
	[dreg:$0x2] =	wrdreg s2  }
0xa9: {  	[dreg:$0x3] =	wrdreg s4  }
0xaa: {  	[dreg:$0x4] =	wrdreg $0xC0  }
0xab: {  	_ =	task [dreg:s6], $0x5FFFF  }
0xac: {  	[dreg:$0x1] =	wrdreg $0xFFFFFFFF  }
0xad: {  	[dreg:$0x0] =	wrdreg $0x60  }
0xae: {  	[dreg:$0x2] =	wrdreg s24  }
0xaf: {  	[dreg:$0x3] =	wrdreg $0x57000  }
0xb0: {  	[dreg:$0x4] =	wrdreg $0x9  }
0xb1: {  	_ =	task.clear_ibuf [dreg:s6], $0x5FFFF;
	_ =	strace $0x90000046  }
0xb2: {  	s29 =	simm.s32 $0x9;
	_ =	strace $0x80000048  }
0xb3: {  	_ =	swait.ge [sflag:s29], $0x1  }
0xb4: {  	[sflag:s29] =	ssyncadd.s32 $0xFFFFFFFF  }
0xb5: {  	_ =	strace $0x90000048  }
0xb6: {  	_ =	sfence  }
0xb7: {  	s30 =	sld [smem:$0x0];
	_ =	sdelay $0x2  }
0xb8: {  	s31 =	sshll.u32 s1, $0xD;
	s1 =	sshrl.u32 s1, $0x2  }
0xb9: {  	s3 =	sand.u32 $0x4000, s31;
	s1 =	sadd.s32 s1, s30  }
0xba: {  	s0 =	sor.u32 s3, s0;
	s1 =	sshll.u32 s1, $0x11  }
0xbb: {  	s0 =	sor.u32 s1, s0  }
0xbc: {  	s0 =	sadd.s32 $0x8F2B, s0  }
0xbd: {  	[sflag:s0] =	ssyncadd.remote.s32 $0x1  }
0xbe: {  	_ =	sfence.sel $0xFFFF  }
0xbf: {  	[dreg:$0x0] =	wrdreg $0xFFFFFFFF;
	(pc) =	sbr.abs _section_cstart, $3  }
0xc0: {  	[dreg:$0x1] =	wrdreg $0xFFFFFFFF  }
0xc1: {  	_ =	task.clear_ibuf [dreg:s6], $0x2FFFF;
	_ =	strace $0x9FFFFFFF  }
0xc2: {  	(tm) =	ssettm $0x7FFFFFFF  }
0xc3: {  	_ =	shalt  }
tec
execute0_lowered:
.L_overlay_start_1:
0x0: {  	(tag) =	ssettag $0x1  }
0x1: {  	s4 =	rddreg [dreg:$0x0]  }
0x2: {  	s2 =	rddreg [dreg:$0x1];
	s3 =	srdreg.scid  }
0x3: {  	s1 =	stileid.u32;
	s0 =	rddreg [dreg:$0x2];
	s10 =	simm.s32 $0x80  }
0x4: {  	s11 =	simm.s32 $0x2780;
	s5 =	sand.u32 $0x1, s3;
	s6 =	smul.u32 $0x2780, s1  }
0x5: {  	s3 =	simm.s32 $0x0;
	s7 =	sshll.u32 s5, $0x4;
	s8 =	smul.u32 $0x27800, s5  }
0x6: {  	s12 =	simm.s32 $0x0;
	[smem:$0x7FF] =	sst s3;
	s7 =	sor.u32 s1, s7  }
0x7: {  	s5 =	ssub.s32 $0x2, s5;
	s7 =	smul.u32 $0x4F0, s7;
	s8 =	sadd.s32 s6, s8  }
0x8: {  	_ =	strace $0x80000047;
	s9 =	sshrl.u32 s5, $0x1;
	s8 =	sshrl.u32 s8, $0x3  }
0x9: {  	s9 =	ssub.s32 s5, s9;
	s7 =	sadd.s32 s7, s4;
	s8 =	sadd.s32 s8, s4  }
0xa: {  	s4 =	sadd.s32 s6, s2;
	s5 =	sadd.s32 $0x1E00, s7;
	s6 =	sadd.s32 $0xBC00, s8  }
0xb: {  	v0 =	vimm.f32 $1.000000000e+00;
	v1 =	vimm.f32 $0.0e+00;
	s7 =	smax.u32 s9, $0x1;
	s8 =	simm.s32 $0x2F80;
	s9 =	simm.s32 $0x1  }
.LBB2_1:
0xc: {  	s13 =	simm.s32 $0x0  }
.LBB2_2:
0xd: {  	p0 =	sne.s32 s13, $0x1FC0  }
.Ltmp0:
0xe: {  	_ = 	snop;
	(pc) =	sbr.rel @p0 .LBB2_2-.Ltmp0, $3  }
0xf: {  	_ =	sdelay $0x1  }
0x10: {  	s14 =	sshra.s32 s13, $0x2  }
0x11: {  	s13 =	sadd.s32 $0x40, s13;
	[tilespmem:s14+$0x2780] =	vst v0  }
0x12: {  	s13 =	simm.s32 $0x40;
	s14 =	simm.s32 $0x0  }
.LBB2_4:
0x13: {  	p0 =	sne.s32 s13, $0x9DC0;
	[tilespmem:s14+$0x2F80] =	vst v1;
	s14 =	smov.u32 s13;
	s13 =	sadd.s32 $0x40, s13  }
.Ltmp1:
0x14: {  	(pc) =	sbr.rel @p0 .LBB2_4-.Ltmp1, $2  }
0x15: {  	_ =	sdelay $0x2  }
0x16: {  	s14 =	sshra.s32 s14, $0x2  }
0x17: {  	[tilespmem:s14+$0x2F80] =	vst v1  }
0x18: {  	[spmem:s4] =	stream.linear.scatter [tilespmem:s8], [sflag:$0x1], $0x2780, $0x38;
	[tilespmem:$0x7E80] =	vst v63  }
0x19: {  	_ =	swait.ge [sflag:s9], $0x2780  }
0x1a: {  	[sflag:s9] =	ssyncset.done $0x0  }
0x1b: {  	[sflag:s9] =	ssyncadd.s32 $0xFFFFD880  }
0x1c: {  	s13 =	simm.s32 $0x0;
	[bflag:$0x0] =	sbarrier.arrive $0xFFFF  }
0x1d: {  	[tilespmem:s13], [sflag:$0x1] =	stream.linear.gather [hbm4b:s5+s13], $0x2780, $0x38;
	[tilespmem:$0x7E80] =	vst v63  }
0x1e: {  	_ =	swait.ge [sflag:s9], $0x2780  }
0x1f: {  	[sflag:s9] =	ssyncset.done $0x0  }
0x20: {  	s31 =	simm.s32 $0x0;
	[sflag:s9] =	ssyncadd.s32 $0xFFFFD880  }
0x21: {  	[spmem:s2] =	stream.indirect.scatter.add.f32 [tilespmem:s11], [sflag:$0x1], $0x10, s31, s10, $0xb8;
	[tilespmem:$0x7E80] =	vst v63  }
0x22: {  	_ =	swait.ge [sflag:s9], $0x800  }
0x23: {  	s13 =	simm.s32 $0x200;
	[sflag:s9] =	ssyncset.done $0x0  }
.LBB2_6:
0x24: {  	s14 =	sshra.s32 s13, $0x2;
	[sflag:s9] =	ssyncadd.s32 $0xFFFFF800;
	p0 =	sne.s32 s13, $0x9C00  }
0x25: {  	[spmem:s2] =	stream.indirect.scatter.add.f32 [tilespmem:s11], [sflag:$0x1], $0x10, s14, s10, $0xb8;
	[tilespmem:$0x7E80] =	vst v63  }
.Ltmp2:
0x26: {  	_ = 	snop;
	(pc) =	sbr.rel @p0 .LBB2_6-.Ltmp2, $4  }
0x27: {  	_ = 	snop  }
0x28: {  	s13 =	sadd.s32 $0x200, s13  }
0x29: {  	_ =	swait.ge [sflag:s9], $0x800  }
0x2a: {  	[sflag:s9] =	ssyncset.done $0x0  }
0x2b: {  	[sflag:s9] =	ssyncadd.s32 $0xFFFFF800  }
0x2c: {  	[bflag:$0x0] =	sbarrier.arrive $0xFFFF  }
0x2d: {  	[tilespmem:s8], [sflag:$0x1] =	stream.linear.gather [spmem:s4], $0x2780, $0x38;
	[tilespmem:$0x7E80] =	vst v63  }
0x2e: {  	s12 =	sadd.s32 $0x1, s12;
	_ =	swait.ge [sflag:s9], $0x2780  }
0x2f: {  	p0 =	sne.s32 s12, s7;
	[sflag:s9] =	ssyncset.done $0x0  }
.Ltmp3:
0x30: {  	[sflag:s9] =	ssyncadd.s32 $0xFFFFD880;
	(pc) =	sbr.rel @p0 .LBB2_1-.Ltmp3, $4  }
0x31: {  	[hbm4b:s6+s3] =	stream.linear.scatter [tilespmem:s8], [sflag:$0x1], $0x2780, $0x38;
	[tilespmem:$0x7E80] =	vst v63  }
0x32: {  	_ =	swait.ge [sflag:s9], $0x2780  }
0x33: {  	[sflag:s9] =	ssyncset.done $0x0  }
0x34: {  	[sflag:s9] =	ssyncadd.s32 $0xFFFFD880  }
0x35: {  	_ =	sfence.sel $0x180000  }
0x36: {  	[bflag:$0x0] =	sbarrier.arrive $0xFFFF  }
0x37: {  	p0 =	sne.s32 s1, $0x0;
	_ =	strace $0x90000047  }
0x38: {  	s0 =	sadd.s32 @!p0 $0x100000, s0;
	[bflag:$0x2] =	sbarrier.arrive $0xFFFF  }
0x39: {  	[sflag:s0] =	ssyncadd.tile.s32 @!p0 $0x1;
	_ =	shalt  }
.Lfunc_end2:
_tile_overlayer_lowered:
.L_overlay_start_2:
0x3a: {  	(tag) =	ssettag $0x2  }
0x3b: {  	s0 =	rddreg [dreg:$0x0];
	s2 =	stileid.u32  }
0x3c: {  	s1 =	rddreg [dreg:$0x1];
	p0 =	sne.s32 s2, $0x0  }
0x3d: {  	s3 =	rddreg [dreg:$0x2];
	[bflag:$0x3] =	sbarrier.arrive $0xFFFF;
	s2 =	simm.s32 @!p0 $0x1C01  }
0x3e: {  	[timem:s3], [sflag:s2] =	dma.local @!p0 [hbm:s0], s1  }
0x3f: {  	s0 =	simm.s32 @!p0 $0x1  }
0x40: {  	_ =	swait.ge @!p0 [sflag:s0], s1  }
0x41: {  	s1 =	ssub.s32 @!p0 $0x0, s1;
	[sflag:s0] =	ssyncset.done @!p0 $0x0  }
0x42: {  	[sflag:s0] =	ssyncadd.s32 @!p0 s1  }
0x43: {  	[bflag:$0x3] =	sbarrier.arrive $0xFFFF  }
0x44: {  	_ =	shalt  }

</sc_bundles>
